<compile_context>
chip_gen: v7x
topology: tpu7x:2x2x1
jax: 0.10.2.dev20260603
libtpu: 0.0.44.dev20260713+nightly
codegen_flags: <defaults>
</compile_context>

<pallas_src>
import functools

import jax
import jax.numpy as jnp
from jax import lax
from jax.experimental import pallas as pl
from jax.experimental.pallas import tpu as pltpu
from jax.experimental.pallas import tpu_sc as plsc

NC = 2
NS = 16
CHUNK = 128


def _enc_body(x_ref, w_ref, oa_ref, ob_ref):
    h = jnp.dot(x_ref[...], w_ref[...], preferred_element_type=jnp.float32,
                precision=lax.Precision.DEFAULT)
    oa_ref[...] = h[:, :16]
    ob_ref[...] = h[:, 16:32]


def _encode(x, w1):
    n, d = x.shape
    bm = 1000
    grid = (n // bm,)
    return pl.pallas_call(
        _enc_body,
        grid=grid,
        in_specs=[
            pl.BlockSpec((bm, d), lambda i: (i, 0)),
            pl.BlockSpec((d, 32), lambda i: (0, 0)),
        ],
        out_specs=[
            pl.BlockSpec((bm, 16), lambda i: (i, 0)),
            pl.BlockSpec((bm, 16), lambda i: (i, 0)),
        ],
        out_shape=[
            jax.ShapeDtypeStruct((n, 16), jnp.float32),
            jax.ShapeDtypeStruct((n, 16), jnp.float32),
        ],
    )(x, w1)


def _edge_pass(gsrc, src_slab, dst_slab, acc, r0b, r1b, g0, g1, ss0, ss1, nch):
    pltpu.make_async_copy(gsrc.at[src_slab.at[0]], r0b, g0).start()

    def body(i, carry):
        even = lax.rem(i, 2) == 0

        @pl.when(even)
        def _():
            pltpu.make_async_copy(gsrc.at[src_slab.at[i]], r0b, g0).wait()
            pltpu.async_copy(r0b, acc.at[dst_slab.at[i]], ss0, add=True)

        @pl.when(jnp.logical_not(even))
        def _():
            pltpu.make_async_copy(gsrc.at[src_slab.at[i]], r1b, g1).wait()
            pltpu.async_copy(r1b, acc.at[dst_slab.at[i]], ss1, add=True)

        @pl.when(i + 1 < nch)
        def _():
            @pl.when(even)
            def _():
                @pl.when(i >= 1)
                def _():
                    pltpu.make_async_copy(
                        r1b, acc.at[dst_slab.at[i]], ss1).wait()
                pltpu.make_async_copy(
                    gsrc.at[src_slab.at[i + 1]], r1b, g1).start()

            @pl.when(jnp.logical_not(even))
            def _():
                pltpu.make_async_copy(r0b, acc.at[dst_slab.at[i]], ss0).wait()
                pltpu.make_async_copy(
                    gsrc.at[src_slab.at[i + 1]], r0b, g0).start()
        return carry

    lax.fori_loop(0, nch, body, 0)
    pltpu.make_async_copy(r0b, acc.at[dst_slab.at[0]], ss0).wait()
    pltpu.make_async_copy(r1b, acc.at[dst_slab.at[0]], ss1).wait()


def _make_sc_propagate(n_rows, arows, nch):
    rpt = arows // NS

    mesh = plsc.VectorSubcoreMesh(core_axis_name="c", subcore_axis_name="s")

    @functools.partial(
        pl.kernel,
        mesh=mesh,
        out_type=[
            jax.ShapeDtypeStruct((arows, 16), jnp.float32),
            jax.ShapeDtypeStruct((arows, 16), jnp.float32),
        ],
        scratch_types=[
            pltpu.VMEM_SHARED((arows, 16), jnp.float32),
            pltpu.VMEM_SHARED((arows, 16), jnp.float32),
            pltpu.VMEM((nch, CHUNK), jnp.int32),
            pltpu.VMEM((nch, CHUNK), jnp.int32),
            pltpu.VMEM((nch, CHUNK), jnp.int32),
            pltpu.VMEM((CHUNK, 16), jnp.float32),
            pltpu.VMEM((CHUNK, 16), jnp.float32),
            pltpu.VMEM((CHUNK, 16), jnp.float32),
            pltpu.SemaphoreType.DMA,
            pltpu.SemaphoreType.DMA,
            pltpu.SemaphoreType.DMA,
            pltpu.SemaphoreType.DMA,
        ],
        compiler_params=pltpu.CompilerParams(use_tc_tiling_on_sc=False),
    )
    def sc_prop(h0s, noise2, srcg2, dstg, outa, outb,
                acc1, acc2, src1_v, src2_v, dst_v, r0b, r1b, nz_v,
                g0, g1, ss0, ss1):
        cid = lax.axis_index("c")
        sid = lax.axis_index("s")
        base_r = sid * rpt

        pltpu.sync_copy(srcg2.at[cid].at[sid], src1_v)
        pltpu.sync_copy(srcg2.at[0].at[sid], src2_v)
        pltpu.sync_copy(dstg.at[sid], dst_v)

        def zrow(r, carry):
            r0b[r, :] = jnp.zeros((16,), jnp.float32)
            return carry
        lax.fori_loop(0, CHUNK, zrow, 0)
        for k in range(rpt // CHUNK):
            pltpu.sync_copy(r0b, acc1.at[pl.ds(base_r + k * CHUNK, CHUNK)])
            pltpu.sync_copy(r0b, acc2.at[pl.ds(base_r + k * CHUNK, CHUNK)])
        plsc.subcore_barrier()

        _edge_pass(h0s, src1_v, dst_v, acc1, r0b, r1b, g0, g1, ss0, ss1, nch)
        plsc.subcore_barrier()

        for k in range(rpt // CHUNK):
            r0 = base_r + k * CHUNK
            pltpu.sync_copy(acc1.at[pl.ds(r0, CHUNK)], r0b)
            pltpu.sync_copy(noise2.at[cid].at[pl.ds(r0, CHUNK)], nz_v)

            def relu_row(r, carry):
                v = r0b[r, :]
                nz = nz_v[r, :]
                r0b[r, :] = jnp.maximum(v, 0.0) + 0.1 * nz
                return carry
            lax.fori_loop(0, CHUNK, relu_row, 0)
            pltpu.sync_copy(r0b, acc1.at[pl.ds(r0, CHUNK)])
        plsc.subcore_barrier()

        _edge_pass(acc1, src2_v, dst_v, acc2, r0b, r1b, g0, g1, ss0, ss1, nch)
        plsc.subcore_barrier()

        for k in range(rpt // CHUNK):
            r0 = base_r + k * CHUNK
            pltpu.sync_copy(acc2.at[pl.ds(r0, CHUNK)], r0b)

            @pl.when(cid == 0)
            def _():
                pltpu.sync_copy(r0b, outa.at[pl.ds(r0, CHUNK)])

            @pl.when(cid == 1)
            def _():
                pltpu.sync_copy(r0b, outb.at[pl.ds(r0, CHUNK)])

    return sc_prop


def _z_body(sa_ref, sb_ref, w2a_ref, w2b_ref, z_ref):
    z_ref[...] = (
        jnp.dot(sa_ref[...], w2a_ref[...], preferred_element_type=jnp.float32,
                precision=lax.Precision.HIGHEST)
        + jnp.dot(sb_ref[...], w2b_ref[...], preferred_element_type=jnp.float32,
                  precision=lax.Precision.HIGHEST))


def _z_project(s2a, s2b, w2a, w2b):
    n = s2a.shape[0]
    bm = 1000
    return pl.pallas_call(
        _z_body,
        grid=(n // bm,),
        in_specs=[
            pl.BlockSpec((bm, 16), lambda i: (i, 0)),
            pl.BlockSpec((bm, 16), lambda i: (i, 0)),
            pl.BlockSpec((16, 16), lambda i: (0, 0)),
            pl.BlockSpec((16, 16), lambda i: (0, 0)),
        ],
        out_specs=pl.BlockSpec((bm, 16), lambda i: (i, 0)),
        out_shape=jax.ShapeDtypeStruct((n, 16), jnp.float32),
    )(s2a, s2b, w2a, w2b)


def _dec_body(zi_ref, zall_ref, out_ref):
    out_ref[...] = lax.dot_general(
        zi_ref[...], zall_ref[...], (((1,), (1,)), ((), ())),
        preferred_element_type=jnp.float32,
        precision=lax.Precision.DEFAULT)


def _decode(z):
    n = z.shape[0]
    bm = 400
    return pl.pallas_call(
        _dec_body,
        grid=(n // bm,),
        in_specs=[
            pl.BlockSpec((bm, 16), lambda i: (i, 0)),
            pl.BlockSpec((n, 16), lambda i: (0, 0)),
        ],
        out_specs=pl.BlockSpec((bm, n), lambda i: (i, 0)),
        out_shape=jax.ShapeDtypeStruct((n, n), jnp.float32),
    )(z, z)


def kernel(x, noise, W1, W2, edge_index):
    n = x.shape[0]
    e = edge_index.shape[1]

    nch = -(-e // (NS * CHUNK))
    e_pad = NS * nch * CHUNK
    arows = -(-(n + 1) // (NS * CHUNK)) * NS * CHUNK

    src = edge_index[0]
    dst = edge_index[1]
    pad = e_pad - e
    src_pad = jnp.concatenate([src, jnp.zeros((pad,), jnp.int32)])
    dst_pad = jnp.concatenate([dst, jnp.full((pad,), n, jnp.int32)])
    srcg = src_pad.reshape(NS, nch, CHUNK)
    srcg2 = jnp.stack([srcg, srcg + n])
    dstg = dst_pad.reshape(NS, nch, CHUNK)

    noise_pad = jnp.pad(noise, ((0, arows - n), (0, 0)))
    noise2 = jnp.stack([noise_pad[:, :16], noise_pad[:, 16:32]])

    h0a, h0b = _encode(x, W1)
    h0s = jnp.concatenate([h0a, h0b], axis=0)

    sc_prop = _make_sc_propagate(n, arows, nch)
    outa, outb = sc_prop(h0s, noise2, srcg2, dstg)

    s2a = outa[:n]
    s2b = outb[:n]
    return s2a
    z = _z_project(s2a, s2b, W2[:16], W2[16:32])
    recon = _decode(z)
    return recon.reshape(-1)

# --- scband reference (transcript-rebuilt; emitter-appended) ---
"""Pipeline reference for scband-arga-50792283243036 (READ-ONLY COPY).

The authoritative reference and input builder live on the scoring server;
editing this copy changes nothing except your own understanding.
"""

import jax, jax.numpy as jnp
import numpy as np

N = 10000
E = 160000
D = 256
H1 = 32
H2 = 16

def setup_inputs(seed: int = 0) -> dict:
    key = jax.random.key(seed)
    k1, k2, k3, k4, k5 = jax.random.split(key, 5)
    x = jax.random.normal(k1, (N, D), dtype=jnp.float32)
    edge_index = jax.random.randint(k2, (2, E), 0, N, dtype=jnp.int32)
    noise = jax.random.normal(k3, (N, H1), dtype=jnp.float32)
    W1 = jax.random.normal(k4, (D, H1), dtype=jnp.float32) * 0.05
    W2 = jax.random.normal(k5, (H1, H2), dtype=jnp.float32) * 0.05
    return {"x": x, "noise": noise, "W1": W1, "W2": W2, "edge_index": edge_index}

def reference(x, noise, W1, W2, edge_index):
    # ARGA encoder: two GCN layers (sparse adj propagation via scatter-add)
    # with gaussian noise injected after layer 1, then inner-product decoder.
    src = edge_index[0]
    dst = edge_index[1]
    # GraphConvolutionSparse: relu(A @ (X W1))
    h = x @ W1
    h = jax.ops.segment_sum(h[src], dst, num_segments=N)
    h = jax.nn.relu(h)
    # gaussian_noise_layer(h, std=0.1); noise passed in for determinism
    h = h + 0.1 * noise
    # GraphConvolution: A @ (H W2), linear activation -> embeddings z_mean
    z = h @ W2
    z = jax.ops.segment_sum(z[src], dst, num_segments=N)
    # InnerProductDecoder: flatten(Z Z^T), linear activation
    reconstructions = (z @ z.T).reshape(-1)
    return reconstructions

if __name__ == "__main__":
    import jax
    _d = setup_inputs()
    print(jax.jit(kernel)(*tuple(_d.values())))

</pallas_src>

<mosaic_0001>
#map = affine_map<(d0, d1) -> (0, 0)>
#map1 = affine_map<(d0, d1) -> (0, 0, 0)>
#map2 = affine_map<(d0, d1) -> (0, 0, 0, 0)>
module attributes {stable_mosaic.version = 14 : i64} {
  func.func @sc_prop(%arg0: i32, %arg1: i32, %arg2: memref<20000x16xf32, #tpu.memory_space<hbm>>, %arg3: memref<2x10240x16xf32, #tpu.memory_space<hbm>>, %arg4: memref<2x16x79x128xi32, #tpu.memory_space<hbm>>, %arg5: memref<16x79x128xi32, #tpu.memory_space<hbm>>, %arg6: memref<10240x16xf32, #tpu.memory_space<hbm>>, %arg7: memref<10240x16xf32, #tpu.memory_space<hbm>>, %arg8: memref<10240x16xf32, #tpu.memory_space<vmem_shared>>, %arg9: memref<10240x16xf32, #tpu.memory_space<vmem_shared>>, %arg10: memref<79x128xi32, #tpu.memory_space<vmem>>, %arg11: memref<79x128xi32, #tpu.memory_space<vmem>>, %arg12: memref<79x128xi32, #tpu.memory_space<vmem>>, %arg13: memref<128x16xf32, #tpu.memory_space<vmem>>, %arg14: memref<128x16xf32, #tpu.memory_space<vmem>>, %arg15: memref<128x16xf32, #tpu.memory_space<vmem>>, %arg16: memref<!tpu.dma_semaphore, #tpu.memory_space<semaphore_mem>>, %arg17: memref<!tpu.dma_semaphore, #tpu.memory_space<semaphore_mem>>, %arg18: memref<!tpu.dma_semaphore, #tpu.memory_space<semaphore_mem>>, %arg19: memref<!tpu.dma_semaphore, #tpu.memory_space<semaphore_mem>>) attributes {dimension_semantics = [#tpu.dimension_semantics<core_parallel>, #tpu.dimension_semantics<subcore_parallel>], iteration_bounds = array<i64: 2, 16>, scalar_prefetch = 0 : i64, scratch_operands = 12 : i64, tpu.core_type = #tpu.core_type<sc_vector_subcore>, window_params = [{transform_indices = #map}, {transform_indices = #map1}, {transform_indices = #map2}, {transform_indices = #map1}, {transform_indices = #map}, {transform_indices = #map}]} {
    %mul3A = arith.constant 640 : i32
    %mul3A_0 = arith.muli %arg1, %mul3A : i32
    "tpu.region"() ({
      %run_scoped3A_177 = tpu.sem_alloc : memref<!tpu.dma_semaphore, #tpu.memory_space<semaphore_mem>>
      %dma_start3A_178 = arith.constant 0 : i32
      %dma_start3A_179 = arith.constant 0 : i32
      %dma_start3A_180 = arith.constant 0 : i32
      %dma_start3A_181 = tpu.memref_slice %arg4[%arg0, %dma_start3A_178, %dma_start3A_179, %dma_start3A_180] : memref<2x16x79x128xi32, #tpu.memory_space<hbm>> -> memref<1x16x79x128xi32, #tpu.memory_space<hbm>>
      %dma_start3A_182 = tpu.memref_squeeze %dma_start3A_181 : memref<1x16x79x128xi32, #tpu.memory_space<hbm>> -> memref<16x79x128xi32, #tpu.memory_space<hbm>>
      %dma_start3A_183 = arith.constant 0 : i32
      %dma_start3A_184 = arith.constant 0 : i32
      %dma_start3A_185 = tpu.memref_slice %dma_start3A_182[%arg1, %dma_start3A_183, %dma_start3A_184] : memref<16x79x128xi32, #tpu.memory_space<hbm>> -> memref<1x79x128xi32, #tpu.memory_space<hbm>>
      %dma_start3A_186 = tpu.memref_squeeze %dma_start3A_185 : memref<1x79x128xi32, #tpu.memory_space<hbm>> -> memref<79x128xi32, #tpu.memory_space<hbm>>
      %dma_start3A_187 = arith.constant 0 : i32
      %dma_start3A_188 = arith.constant 0 : i32
      %dma_start3A_189 = arith.constant 0 : i32
      %dma_start3A_190 = tpu.memref_slice %arg4[%arg0, %dma_start3A_187, %dma_start3A_188, %dma_start3A_189] : memref<2x16x79x128xi32, #tpu.memory_space<hbm>> -> memref<1x16x79x128xi32, #tpu.memory_space<hbm>>
      %dma_start3A_191 = tpu.memref_squeeze %dma_start3A_190 : memref<1x16x79x128xi32, #tpu.memory_space<hbm>> -> memref<16x79x128xi32, #tpu.memory_space<hbm>>
      %dma_start3A_192 = arith.constant 0 : i32
      %dma_start3A_193 = arith.constant 0 : i32
      %dma_start3A_194 = tpu.memref_slice %dma_start3A_191[%arg1, %dma_start3A_192, %dma_start3A_193] : memref<16x79x128xi32, #tpu.memory_space<hbm>> -> memref<1x79x128xi32, #tpu.memory_space<hbm>>
      %dma_start3A_195 = tpu.memref_squeeze %dma_start3A_194 : memref<1x79x128xi32, #tpu.memory_space<hbm>> -> memref<79x128xi32, #tpu.memory_space<hbm>>
      tpu.enqueue_dma source(%dma_start3A_195 : memref<79x128xi32, #tpu.memory_space<hbm>>) target(%arg10 : memref<79x128xi32, #tpu.memory_space<vmem>>) target_semaphore(%run_scoped3A_177 : memref<!tpu.dma_semaphore, #tpu.memory_space<semaphore_mem>>)
      %dma_wait3A_196 = arith.constant 0 : i32
      %dma_wait3A_197 = arith.constant 0 : i32
      %dma_wait3A_198 = arith.constant 0 : i32
      %dma_wait3A_199 = tpu.memref_slice %arg4[%arg0, %dma_wait3A_196, %dma_wait3A_197, %dma_wait3A_198] : memref<2x16x79x128xi32, #tpu.memory_space<hbm>> -> memref<1x16x79x128xi32, #tpu.memory_space<hbm>>
      %dma_wait3A_200 = tpu.memref_squeeze %dma_wait3A_199 : memref<1x16x79x128xi32, #tpu.memory_space<hbm>> -> memref<16x79x128xi32, #tpu.memory_space<hbm>>
      %dma_wait3A_201 = arith.constant 0 : i32
      %dma_wait3A_202 = arith.constant 0 : i32
      %dma_wait3A_203 = tpu.memref_slice %dma_wait3A_200[%arg1, %dma_wait3A_201, %dma_wait3A_202] : memref<16x79x128xi32, #tpu.memory_space<hbm>> -> memref<1x79x128xi32, #tpu.memory_space<hbm>>
      %dma_wait3A_204 = tpu.memref_squeeze %dma_wait3A_203 : memref<1x79x128xi32, #tpu.memory_space<hbm>> -> memref<79x128xi32, #tpu.memory_space<hbm>>
      %dma_wait3A_205 = arith.constant 0 : i32
      %dma_wait3A_206 = arith.constant 0 : i32
      %dma_wait3A_207 = arith.constant 0 : i32
      %dma_wait3A_208 = tpu.memref_slice %arg4[%arg0, %dma_wait3A_205, %dma_wait3A_206, %dma_wait3A_207] : memref<2x16x79x128xi32, #tpu.memory_space<hbm>> -> memref<1x16x79x128xi32, #tpu.memory_space<hbm>>
      %dma_wait3A_209 = tpu.memref_squeeze %dma_wait3A_208 : memref<1x16x79x128xi32, #tpu.memory_space<hbm>> -> memref<16x79x128xi32, #tpu.memory_space<hbm>>
      %dma_wait3A_210 = arith.constant 0 : i32
      %dma_wait3A_211 = arith.constant 0 : i32
      %dma_wait3A_212 = tpu.memref_slice %dma_wait3A_209[%arg1, %dma_wait3A_210, %dma_wait3A_211] : memref<16x79x128xi32, #tpu.memory_space<hbm>> -> memref<1x79x128xi32, #tpu.memory_space<hbm>>
      %dma_wait3A_213 = tpu.memref_squeeze %dma_wait3A_212 : memref<1x79x128xi32, #tpu.memory_space<hbm>> -> memref<79x128xi32, #tpu.memory_space<hbm>>
      tpu.wait_dma2 semaphore(%run_scoped3A_177 : memref<!tpu.dma_semaphore, #tpu.memory_space<semaphore_mem>>) src(%dma_wait3A_213 : memref<79x128xi32, #tpu.memory_space<hbm>>) dst(%arg10 : memref<79x128xi32, #tpu.memory_space<vmem>>)
      tpu.yield
    }) : () -> ()
    %run_scoped3A = arith.constant 0 : i32
    "tpu.region"() ({
      %run_scoped3A_177 = tpu.sem_alloc : memref<!tpu.dma_semaphore, #tpu.memory_space<semaphore_mem>>
      %dma_start3A_178 = arith.constant 0 : i32
      %dma_start3A_179 = arith.constant 0 : i32
      %dma_start3A_180 = arith.constant 0 : i32
      %dma_start3A_181 = tpu.memref_slice %arg4[%run_scoped3A, %dma_start3A_178, %dma_start3A_179, %dma_start3A_180] : memref<2x16x79x128xi32, #tpu.memory_space<hbm>> -> memref<1x16x79x128xi32, #tpu.memory_space<hbm>>
      %dma_start3A_182 = tpu.memref_squeeze %dma_start3A_181 : memref<1x16x79x128xi32, #tpu.memory_space<hbm>> -> memref<16x79x128xi32, #tpu.memory_space<hbm>>
      %dma_start3A_183 = arith.constant 0 : i32
      %dma_start3A_184 = arith.constant 0 : i32
      %dma_start3A_185 = tpu.memref_slice %dma_start3A_182[%arg1, %dma_start3A_183, %dma_start3A_184] : memref<16x79x128xi32, #tpu.memory_space<hbm>> -> memref<1x79x128xi32, #tpu.memory_space<hbm>>
      %dma_start3A_186 = tpu.memref_squeeze %dma_start3A_185 : memref<1x79x128xi32, #tpu.memory_space<hbm>> -> memref<79x128xi32, #tpu.memory_space<hbm>>
      %dma_start3A_187 = arith.constant 0 : i32
      %dma_start3A_188 = arith.constant 0 : i32
      %dma_start3A_189 = arith.constant 0 : i32
      %dma_start3A_190 = tpu.memref_slice %arg4[%run_scoped3A, %dma_start3A_187, %dma_start3A_188, %dma_start3A_189] : memref<2x16x79x128xi32, #tpu.memory_space<hbm>> -> memref<1x16x79x128xi32, #tpu.memory_space<hbm>>
      %dma_start3A_191 = tpu.memref_squeeze %dma_start3A_190 : memref<1x16x79x128xi32, #tpu.memory_space<hbm>> -> memref<16x79x128xi32, #tpu.memory_space<hbm>>
      %dma_start3A_192 = arith.constant 0 : i32
      %dma_start3A_193 = arith.constant 0 : i32
      %dma_start3A_194 = tpu.memref_slice %dma_start3A_191[%arg1, %dma_start3A_192, %dma_start3A_193] : memref<16x79x128xi32, #tpu.memory_space<hbm>> -> memref<1x79x128xi32, #tpu.memory_space<hbm>>
      %dma_start3A_195 = tpu.memref_squeeze %dma_start3A_194 : memref<1x79x128xi32, #tpu.memory_space<hbm>> -> memref<79x128xi32, #tpu.memory_space<hbm>>
      tpu.enqueue_dma source(%dma_start3A_195 : memref<79x128xi32, #tpu.memory_space<hbm>>) target(%arg11 : memref<79x128xi32, #tpu.memory_space<vmem>>) target_semaphore(%run_scoped3A_177 : memref<!tpu.dma_semaphore, #tpu.memory_space<semaphore_mem>>)
      %dma_wait3A_196 = arith.constant 0 : i32
      %dma_wait3A_197 = arith.constant 0 : i32
      %dma_wait3A_198 = arith.constant 0 : i32
      %dma_wait3A_199 = tpu.memref_slice %arg4[%run_scoped3A, %dma_wait3A_196, %dma_wait3A_197, %dma_wait3A_198] : memref<2x16x79x128xi32, #tpu.memory_space<hbm>> -> memref<1x16x79x128xi32, #tpu.memory_space<hbm>>
      %dma_wait3A_200 = tpu.memref_squeeze %dma_wait3A_199 : memref<1x16x79x128xi32, #tpu.memory_space<hbm>> -> memref<16x79x128xi32, #tpu.memory_space<hbm>>
      %dma_wait3A_201 = arith.constant 0 : i32
      %dma_wait3A_202 = arith.constant 0 : i32
      %dma_wait3A_203 = tpu.memref_slice %dma_wait3A_200[%arg1, %dma_wait3A_201, %dma_wait3A_202] : memref<16x79x128xi32, #tpu.memory_space<hbm>> -> memref<1x79x128xi32, #tpu.memory_space<hbm>>
      %dma_wait3A_204 = tpu.memref_squeeze %dma_wait3A_203 : memref<1x79x128xi32, #tpu.memory_space<hbm>> -> memref<79x128xi32, #tpu.memory_space<hbm>>
      %dma_wait3A_205 = arith.constant 0 : i32
      %dma_wait3A_206 = arith.constant 0 : i32
      %dma_wait3A_207 = arith.constant 0 : i32
      %dma_wait3A_208 = tpu.memref_slice %arg4[%run_scoped3A, %dma_wait3A_205, %dma_wait3A_206, %dma_wait3A_207] : memref<2x16x79x128xi32, #tpu.memory_space<hbm>> -> memref<1x16x79x128xi32, #tpu.memory_space<hbm>>
      %dma_wait3A_209 = tpu.memref_squeeze %dma_wait3A_208 : memref<1x16x79x128xi32, #tpu.memory_space<hbm>> -> memref<16x79x128xi32, #tpu.memory_space<hbm>>
      %dma_wait3A_210 = arith.constant 0 : i32
      %dma_wait3A_211 = arith.constant 0 : i32
      %dma_wait3A_212 = tpu.memref_slice %dma_wait3A_209[%arg1, %dma_wait3A_210, %dma_wait3A_211] : memref<16x79x128xi32, #tpu.memory_space<hbm>> -> memref<1x79x128xi32, #tpu.memory_space<hbm>>
      %dma_wait3A_213 = tpu.memref_squeeze %dma_wait3A_212 : memref<1x79x128xi32, #tpu.memory_space<hbm>> -> memref<79x128xi32, #tpu.memory_space<hbm>>
      tpu.wait_dma2 semaphore(%run_scoped3A_177 : memref<!tpu.dma_semaphore, #tpu.memory_space<semaphore_mem>>) src(%dma_wait3A_213 : memref<79x128xi32, #tpu.memory_space<hbm>>) dst(%arg11 : memref<79x128xi32, #tpu.memory_space<vmem>>)
      tpu.yield
    }) : () -> ()
    "tpu.region"() ({
      %run_scoped3A_177 = tpu.sem_alloc : memref<!tpu.dma_semaphore, #tpu.memory_space<semaphore_mem>>
      %dma_start3A_178 = arith.constant 0 : i32
      %dma_start3A_179 = arith.constant 0 : i32
      %dma_start3A_180 = tpu.memref_slice %arg5[%arg1, %dma_start3A_178, %dma_start3A_179] : memref<16x79x128xi32, #tpu.memory_space<hbm>> -> memref<1x79x128xi32, #tpu.memory_space<hbm>>
      %dma_start3A_181 = tpu.memref_squeeze %dma_start3A_180 : memref<1x79x128xi32, #tpu.memory_space<hbm>> -> memref<79x128xi32, #tpu.memory_space<hbm>>
      %dma_start3A_182 = arith.constant 0 : i32
      %dma_start3A_183 = arith.constant 0 : i32
      %dma_start3A_184 = tpu.memref_slice %arg5[%arg1, %dma_start3A_182, %dma_start3A_183] : memref<16x79x128xi32, #tpu.memory_space<hbm>> -> memref<1x79x128xi32, #tpu.memory_space<hbm>>
      %dma_start3A_185 = tpu.memref_squeeze %dma_start3A_184 : memref<1x79x128xi32, #tpu.memory_space<hbm>> -> memref<79x128xi32, #tpu.memory_space<hbm>>
      tpu.enqueue_dma source(%dma_start3A_185 : memref<79x128xi32, #tpu.memory_space<hbm>>) target(%arg12 : memref<79x128xi32, #tpu.memory_space<vmem>>) target_semaphore(%run_scoped3A_177 : memref<!tpu.dma_semaphore, #tpu.memory_space<semaphore_mem>>)
      %dma_wait3A_186 = arith.constant 0 : i32
      %dma_wait3A_187 = arith.constant 0 : i32
      %dma_wait3A_188 = tpu.memref_slice %arg5[%arg1, %dma_wait3A_186, %dma_wait3A_187] : memref<16x79x128xi32, #tpu.memory_space<hbm>> -> memref<1x79x128xi32, #tpu.memory_space<hbm>>
      %dma_wait3A_189 = tpu.memref_squeeze %dma_wait3A_188 : memref<1x79x128xi32, #tpu.memory_space<hbm>> -> memref<79x128xi32, #tpu.memory_space<hbm>>
      %dma_wait3A_190 = arith.constant 0 : i32
      %dma_wait3A_191 = arith.constant 0 : i32
      %dma_wait3A_192 = tpu.memref_slice %arg5[%arg1, %dma_wait3A_190, %dma_wait3A_191] : memref<16x79x128xi32, #tpu.memory_space<hbm>> -> memref<1x79x128xi32, #tpu.memory_space<hbm>>
      %dma_wait3A_193 = tpu.memref_squeeze %dma_wait3A_192 : memref<1x79x128xi32, #tpu.memory_space<hbm>> -> memref<79x128xi32, #tpu.memory_space<hbm>>
      tpu.wait_dma2 semaphore(%run_scoped3A_177 : memref<!tpu.dma_semaphore, #tpu.memory_space<semaphore_mem>>) src(%dma_wait3A_193 : memref<79x128xi32, #tpu.memory_space<hbm>>) dst(%arg12 : memref<79x128xi32, #tpu.memory_space<vmem>>)
      tpu.yield
    }) : () -> ()
    %scan3A = arith.constant 0 : i32
    %scan3A_1 = arith.constant 0 : i32
    %scan3A_2 = arith.constant 128 : i32
    %scan3A_3 = arith.addi %scan3A_1, %scan3A_2 : i32
    %scan3A_4 = arith.constant 1 : i32
    scf.for %scan3A_177 = %scan3A_1 to %scan3A_3 step %scan3A_4  : i32 {
      %broadcast_in_dim3A = arith.constant 0.000000e+00 : f32
      %broadcast_in_dim3A_178 = vector.broadcast %broadcast_in_dim3A : f32 to vector<16xf32>
      %swap3A = arith.index_cast %scan3A_177 : i32 to index
      %swap3A_179 = arith.constant 0 : index
      %swap3A_180 = tpu.vector_load %arg13[%swap3A, %swap3A_179] {strides = array<i32>} : memref<128x16xf32, #tpu.memory_space<vmem>>, vector<1x16xf32>,
      %swap3A_181 = vector.shape_cast %swap3A_180 : vector<1x16xf32> to vector<16xf32>
      %swap3A_182 = vector.shape_cast %broadcast_in_dim3A_178 : vector<16xf32> to vector<1x16xf32>
      tpu.vector_store %arg13[%swap3A, %swap3A_179], %swap3A_182 {strides = array<i32>} : memref<128x16xf32, #tpu.memory_space<vmem>>, vector<1x16xf32>,
    }
    %scan3A_5 = arith.constant 128 : i32
    %add3A = arith.constant 0 : i32
    %add3A_6 = arith.addi %mul3A_0, %add3A : i32
    "tpu.region"() ({
      %run_scoped3A_177 = tpu.sem_alloc : memref<!tpu.dma_semaphore, #tpu.memory_space<semaphore_mem>>
      %dma_start3A_178 = arith.constant 0 : i32
      %dma_start3A_179 = tpu.memref_slice %arg8[%add3A_6, %dma_start3A_178] : memref<10240x16xf32, #tpu.memory_space<vmem_shared>> -> memref<128x16xf32, #tpu.memory_space<vmem_shared>>
      %dma_start3A_180 = arith.constant 0 : i32
      %dma_start3A_181 = tpu.memref_slice %arg8[%add3A_6, %dma_start3A_180] : memref<10240x16xf32, #tpu.memory_space<vmem_shared>> -> memref<128x16xf32, #tpu.memory_space<vmem_shared>>
      tpu.enqueue_dma source(%arg13 : memref<128x16xf32, #tpu.memory_space<vmem>>) target(%dma_start3A_181 : memref<128x16xf32, #tpu.memory_space<vmem_shared>>) target_semaphore(%run_scoped3A_177 : memref<!tpu.dma_semaphore, #tpu.memory_space<semaphore_mem>>)
      %dma_wait3A_182 = arith.constant 0 : i32
      %dma_wait3A_183 = tpu.memref_slice %arg8[%add3A_6, %dma_wait3A_182] : memref<10240x16xf32, #tpu.memory_space<vmem_shared>> -> memref<128x16xf32, #tpu.memory_space<vmem_shared>>
      %dma_wait3A_184 = arith.constant 0 : i32
      %dma_wait3A_185 = tpu.memref_slice %arg8[%add3A_6, %dma_wait3A_184] : memref<10240x16xf32, #tpu.memory_space<vmem_shared>> -> memref<128x16xf32, #tpu.memory_space<vmem_shared>>
      tpu.wait_dma2 semaphore(%run_scoped3A_177 : memref<!tpu.dma_semaphore, #tpu.memory_space<semaphore_mem>>) src(%arg13 : memref<128x16xf32, #tpu.memory_space<vmem>>) dst(%dma_wait3A_185 : memref<128x16xf32, #tpu.memory_space<vmem_shared>>)
      tpu.yield
    }) : () -> ()
    %add3A_7 = arith.constant 0 : i32
    %add3A_8 = arith.addi %mul3A_0, %add3A_7 : i32
    "tpu.region"() ({
      %run_scoped3A_177 = tpu.sem_alloc : memref<!tpu.dma_semaphore, #tpu.memory_space<semaphore_mem>>
      %dma_start3A_178 = arith.constant 0 : i32
      %dma_start3A_179 = tpu.memref_slice %arg9[%add3A_8, %dma_start3A_178] : memref<10240x16xf32, #tpu.memory_space<vmem_shared>> -> memref<128x16xf32, #tpu.memory_space<vmem_shared>>
      %dma_start3A_180 = arith.constant 0 : i32
      %dma_start3A_181 = tpu.memref_slice %arg9[%add3A_8, %dma_start3A_180] : memref<10240x16xf32, #tpu.memory_space<vmem_shared>> -> memref<128x16xf32, #tpu.memory_space<vmem_shared>>
      tpu.enqueue_dma source(%arg13 : memref<128x16xf32, #tpu.memory_space<vmem>>) target(%dma_start3A_181 : memref<128x16xf32, #tpu.memory_space<vmem_shared>>) target_semaphore(%run_scoped3A_177 : memref<!tpu.dma_semaphore, #tpu.memory_space<semaphore_mem>>)
      %dma_wait3A_182 = arith.constant 0 : i32
      %dma_wait3A_183 = tpu.memref_slice %arg9[%add3A_8, %dma_wait3A_182] : memref<10240x16xf32, #tpu.memory_space<vmem_shared>> -> memref<128x16xf32, #tpu.memory_space<vmem_shared>>
      %dma_wait3A_184 = arith.constant 0 : i32
      %dma_wait3A_185 = tpu.memref_slice %arg9[%add3A_8, %dma_wait3A_184] : memref<10240x16xf32, #tpu.memory_space<vmem_shared>> -> memref<128x16xf32, #tpu.memory_space<vmem_shared>>
      tpu.wait_dma2 semaphore(%run_scoped3A_177 : memref<!tpu.dma_semaphore, #tpu.memory_space<semaphore_mem>>) src(%arg13 : memref<128x16xf32, #tpu.memory_space<vmem>>) dst(%dma_wait3A_185 : memref<128x16xf32, #tpu.memory_space<vmem_shared>>)
      tpu.yield
    }) : () -> ()
    %add3A_9 = arith.constant 128 : i32
    %add3A_10 = arith.addi %mul3A_0, %add3A_9 : i32
    "tpu.region"() ({
      %run_scoped3A_177 = tpu.sem_alloc : memref<!tpu.dma_semaphore, #tpu.memory_space<semaphore_mem>>
      %dma_start3A_178 = arith.constant 0 : i32
      %dma_start3A_179 = tpu.memref_slice %arg8[%add3A_10, %dma_start3A_178] : memref<10240x16xf32, #tpu.memory_space<vmem_shared>> -> memref<128x16xf32, #tpu.memory_space<vmem_shared>>
      %dma_start3A_180 = arith.constant 0 : i32
      %dma_start3A_181 = tpu.memref_slice %arg8[%add3A_10, %dma_start3A_180] : memref<10240x16xf32, #tpu.memory_space<vmem_shared>> -> memref<128x16xf32, #tpu.memory_space<vmem_shared>>
      tpu.enqueue_dma source(%arg13 : memref<128x16xf32, #tpu.memory_space<vmem>>) target(%dma_start3A_181 : memref<128x16xf32, #tpu.memory_space<vmem_shared>>) target_semaphore(%run_scoped3A_177 : memref<!tpu.dma_semaphore, #tpu.memory_space<semaphore_mem>>)
      %dma_wait3A_182 = arith.constant 0 : i32
      %dma_wait3A_183 = tpu.memref_slice %arg8[%add3A_10, %dma_wait3A_182] : memref<10240x16xf32, #tpu.memory_space<vmem_shared>> -> memref<128x16xf32, #tpu.memory_space<vmem_shared>>
      %dma_wait3A_184 = arith.constant 0 : i32
      %dma_wait3A_185 = tpu.memref_slice %arg8[%add3A_10, %dma_wait3A_184] : memref<10240x16xf32, #tpu.memory_space<vmem_shared>> -> memref<128x16xf32, #tpu.memory_space<vmem_shared>>
      tpu.wait_dma2 semaphore(%run_scoped3A_177 : memref<!tpu.dma_semaphore, #tpu.memory_space<semaphore_mem>>) src(%arg13 : memref<128x16xf32, #tpu.memory_space<vmem>>) dst(%dma_wait3A_185 : memref<128x16xf32, #tpu.memory_space<vmem_shared>>)
      tpu.yield
    }) : () -> ()
    %add3A_11 = arith.constant 128 : i32
    %add3A_12 = arith.addi %mul3A_0, %add3A_11 : i32
    "tpu.region"() ({
      %run_scoped3A_177 = tpu.sem_alloc : memref<!tpu.dma_semaphore, #tpu.memory_space<semaphore_mem>>
      %dma_start3A_178 = arith.constant 0 : i32
      %dma_start3A_179 = tpu.memref_slice %arg9[%add3A_12, %dma_start3A_178] : memref<10240x16xf32, #tpu.memory_space<vmem_shared>> -> memref<128x16xf32, #tpu.memory_space<vmem_shared>>
      %dma_start3A_180 = arith.constant 0 : i32
      %dma_start3A_181 = tpu.memref_slice %arg9[%add3A_12, %dma_start3A_180] : memref<10240x16xf32, #tpu.memory_space<vmem_shared>> -> memref<128x16xf32, #tpu.memory_space<vmem_shared>>
      tpu.enqueue_dma source(%arg13 : memref<128x16xf32, #tpu.memory_space<vmem>>) target(%dma_start3A_181 : memref<128x16xf32, #tpu.memory_space<vmem_shared>>) target_semaphore(%run_scoped3A_177 : memref<!tpu.dma_semaphore, #tpu.memory_space<semaphore_mem>>)
      %dma_wait3A_182 = arith.constant 0 : i32
      %dma_wait3A_183 = tpu.memref_slice %arg9[%add3A_12, %dma_wait3A_182] : memref<10240x16xf32, #tpu.memory_space<vmem_shared>> -> memref<128x16xf32, #tpu.memory_space<vmem_shared>>
      %dma_wait3A_184 = arith.constant 0 : i32
      %dma_wait3A_185 = tpu.memref_slice %arg9[%add3A_12, %dma_wait3A_184] : memref<10240x16xf32, #tpu.memory_space<vmem_shared>> -> memref<128x16xf32, #tpu.memory_space<vmem_shared>>
      tpu.wait_dma2 semaphore(%run_scoped3A_177 : memref<!tpu.dma_semaphore, #tpu.memory_space<semaphore_mem>>) src(%arg13 : memref<128x16xf32, #tpu.memory_space<vmem>>) dst(%dma_wait3A_185 : memref<128x16xf32, #tpu.memory_space<vmem_shared>>)
      tpu.yield
    }) : () -> ()
    %add3A_13 = arith.constant 256 : i32
    %add3A_14 = arith.addi %mul3A_0, %add3A_13 : i32
    "tpu.region"() ({
      %run_scoped3A_177 = tpu.sem_alloc : memref<!tpu.dma_semaphore, #tpu.memory_space<semaphore_mem>>
      %dma_start3A_178 = arith.constant 0 : i32
      %dma_start3A_179 = tpu.memref_slice %arg8[%add3A_14, %dma_start3A_178] : memref<10240x16xf32, #tpu.memory_space<vmem_shared>> -> memref<128x16xf32, #tpu.memory_space<vmem_shared>>
      %dma_start3A_180 = arith.constant 0 : i32
      %dma_start3A_181 = tpu.memref_slice %arg8[%add3A_14, %dma_start3A_180] : memref<10240x16xf32, #tpu.memory_space<vmem_shared>> -> memref<128x16xf32, #tpu.memory_space<vmem_shared>>
      tpu.enqueue_dma source(%arg13 : memref<128x16xf32, #tpu.memory_space<vmem>>) target(%dma_start3A_181 : memref<128x16xf32, #tpu.memory_space<vmem_shared>>) target_semaphore(%run_scoped3A_177 : memref<!tpu.dma_semaphore, #tpu.memory_space<semaphore_mem>>)
      %dma_wait3A_182 = arith.constant 0 : i32
      %dma_wait3A_183 = tpu.memref_slice %arg8[%add3A_14, %dma_wait3A_182] : memref<10240x16xf32, #tpu.memory_space<vmem_shared>> -> memref<128x16xf32, #tpu.memory_space<vmem_shared>>
      %dma_wait3A_184 = arith.constant 0 : i32
      %dma_wait3A_185 = tpu.memref_slice %arg8[%add3A_14, %dma_wait3A_184] : memref<10240x16xf32, #tpu.memory_space<vmem_shared>> -> memref<128x16xf32, #tpu.memory_space<vmem_shared>>
      tpu.wait_dma2 semaphore(%run_scoped3A_177 : memref<!tpu.dma_semaphore, #tpu.memory_space<semaphore_mem>>) src(%arg13 : memref<128x16xf32, #tpu.memory_space<vmem>>) dst(%dma_wait3A_185 : memref<128x16xf32, #tpu.memory_space<vmem_shared>>)
      tpu.yield
    }) : () -> ()
    %add3A_15 = arith.constant 256 : i32
    %add3A_16 = arith.addi %mul3A_0, %add3A_15 : i32
    "tpu.region"() ({
      %run_scoped3A_177 = tpu.sem_alloc : memref<!tpu.dma_semaphore, #tpu.memory_space<semaphore_mem>>
      %dma_start3A_178 = arith.constant 0 : i32
      %dma_start3A_179 = tpu.memref_slice %arg9[%add3A_16, %dma_start3A_178] : memref<10240x16xf32, #tpu.memory_space<vmem_shared>> -> memref<128x16xf32, #tpu.memory_space<vmem_shared>>
      %dma_start3A_180 = arith.constant 0 : i32
      %dma_start3A_181 = tpu.memref_slice %arg9[%add3A_16, %dma_start3A_180] : memref<10240x16xf32, #tpu.memory_space<vmem_shared>> -> memref<128x16xf32, #tpu.memory_space<vmem_shared>>
      tpu.enqueue_dma source(%arg13 : memref<128x16xf32, #tpu.memory_space<vmem>>) target(%dma_start3A_181 : memref<128x16xf32, #tpu.memory_space<vmem_shared>>) target_semaphore(%run_scoped3A_177 : memref<!tpu.dma_semaphore, #tpu.memory_space<semaphore_mem>>)
      %dma_wait3A_182 = arith.constant 0 : i32
      %dma_wait3A_183 = tpu.memref_slice %arg9[%add3A_16, %dma_wait3A_182] : memref<10240x16xf32, #tpu.memory_space<vmem_shared>> -> memref<128x16xf32, #tpu.memory_space<vmem_shared>>
      %dma_wait3A_184 = arith.constant 0 : i32
      %dma_wait3A_185 = tpu.memref_slice %arg9[%add3A_16, %dma_wait3A_184] : memref<10240x16xf32, #tpu.memory_space<vmem_shared>> -> memref<128x16xf32, #tpu.memory_space<vmem_shared>>
      tpu.wait_dma2 semaphore(%run_scoped3A_177 : memref<!tpu.dma_semaphore, #tpu.memory_space<semaphore_mem>>) src(%arg13 : memref<128x16xf32, #tpu.memory_space<vmem>>) dst(%dma_wait3A_185 : memref<128x16xf32, #tpu.memory_space<vmem_shared>>)
      tpu.yield
    }) : () -> ()
    %add3A_17 = arith.constant 384 : i32
    %add3A_18 = arith.addi %mul3A_0, %add3A_17 : i32
    "tpu.region"() ({
      %run_scoped3A_177 = tpu.sem_alloc : memref<!tpu.dma_semaphore, #tpu.memory_space<semaphore_mem>>
      %dma_start3A_178 = arith.constant 0 : i32
      %dma_start3A_179 = tpu.memref_slice %arg8[%add3A_18, %dma_start3A_178] : memref<10240x16xf32, #tpu.memory_space<vmem_shared>> -> memref<128x16xf32, #tpu.memory_space<vmem_shared>>
      %dma_start3A_180 = arith.constant 0 : i32
      %dma_start3A_181 = tpu.memref_slice %arg8[%add3A_18, %dma_start3A_180] : memref<10240x16xf32, #tpu.memory_space<vmem_shared>> -> memref<128x16xf32, #tpu.memory_space<vmem_shared>>
      tpu.enqueue_dma source(%arg13 : memref<128x16xf32, #tpu.memory_space<vmem>>) target(%dma_start3A_181 : memref<128x16xf32, #tpu.memory_space<vmem_shared>>) target_semaphore(%run_scoped3A_177 : memref<!tpu.dma_semaphore, #tpu.memory_space<semaphore_mem>>)
      %dma_wait3A_182 = arith.constant 0 : i32
      %dma_wait3A_183 = tpu.memref_slice %arg8[%add3A_18, %dma_wait3A_182] : memref<10240x16xf32, #tpu.memory_space<vmem_shared>> -> memref<128x16xf32, #tpu.memory_space<vmem_shared>>
      %dma_wait3A_184 = arith.constant 0 : i32
      %dma_wait3A_185 = tpu.memref_slice %arg8[%add3A_18, %dma_wait3A_184] : memref<10240x16xf32, #tpu.memory_space<vmem_shared>> -> memref<128x16xf32, #tpu.memory_space<vmem_shared>>
      tpu.wait_dma2 semaphore(%run_scoped3A_177 : memref<!tpu.dma_semaphore, #tpu.memory_space<semaphore_mem>>) src(%arg13 : memref<128x16xf32, #tpu.memory_space<vmem>>) dst(%dma_wait3A_185 : memref<128x16xf32, #tpu.memory_space<vmem_shared>>)
      tpu.yield
    }) : () -> ()
    %add3A_19 = arith.constant 384 : i32
    %add3A_20 = arith.addi %mul3A_0, %add3A_19 : i32
    "tpu.region"() ({
      %run_scoped3A_177 = tpu.sem_alloc : memref<!tpu.dma_semaphore, #tpu.memory_space<semaphore_mem>>
      %dma_start3A_178 = arith.constant 0 : i32
      %dma_start3A_179 = tpu.memref_slice %arg9[%add3A_20, %dma_start3A_178] : memref<10240x16xf32, #tpu.memory_space<vmem_shared>> -> memref<128x16xf32, #tpu.memory_space<vmem_shared>>
      %dma_start3A_180 = arith.constant 0 : i32
      %dma_start3A_181 = tpu.memref_slice %arg9[%add3A_20, %dma_start3A_180] : memref<10240x16xf32, #tpu.memory_space<vmem_shared>> -> memref<128x16xf32, #tpu.memory_space<vmem_shared>>
      tpu.enqueue_dma source(%arg13 : memref<128x16xf32, #tpu.memory_space<vmem>>) target(%dma_start3A_181 : memref<128x16xf32, #tpu.memory_space<vmem_shared>>) target_semaphore(%run_scoped3A_177 : memref<!tpu.dma_semaphore, #tpu.memory_space<semaphore_mem>>)
      %dma_wait3A_182 = arith.constant 0 : i32
      %dma_wait3A_183 = tpu.memref_slice %arg9[%add3A_20, %dma_wait3A_182] : memref<10240x16xf32, #tpu.memory_space<vmem_shared>> -> memref<128x16xf32, #tpu.memory_space<vmem_shared>>
      %dma_wait3A_184 = arith.constant 0 : i32
      %dma_wait3A_185 = tpu.memref_slice %arg9[%add3A_20, %dma_wait3A_184] : memref<10240x16xf32, #tpu.memory_space<vmem_shared>> -> memref<128x16xf32, #tpu.memory_space<vmem_shared>>
      tpu.wait_dma2 semaphore(%run_scoped3A_177 : memref<!tpu.dma_semaphore, #tpu.memory_space<semaphore_mem>>) src(%arg13 : memref<128x16xf32, #tpu.memory_space<vmem>>) dst(%dma_wait3A_185 : memref<128x16xf32, #tpu.memory_space<vmem_shared>>)
      tpu.yield
    }) : () -> ()
    %add3A_21 = arith.constant 512 : i32
    %add3A_22 = arith.addi %mul3A_0, %add3A_21 : i32
    "tpu.region"() ({
      %run_scoped3A_177 = tpu.sem_alloc : memref<!tpu.dma_semaphore, #tpu.memory_space<semaphore_mem>>
      %dma_start3A_178 = arith.constant 0 : i32
      %dma_start3A_179 = tpu.memref_slice %arg8[%add3A_22, %dma_start3A_178] : memref<10240x16xf32, #tpu.memory_space<vmem_shared>> -> memref<128x16xf32, #tpu.memory_space<vmem_shared>>
      %dma_start3A_180 = arith.constant 0 : i32
      %dma_start3A_181 = tpu.memref_slice %arg8[%add3A_22, %dma_start3A_180] : memref<10240x16xf32, #tpu.memory_space<vmem_shared>> -> memref<128x16xf32, #tpu.memory_space<vmem_shared>>
      tpu.enqueue_dma source(%arg13 : memref<128x16xf32, #tpu.memory_space<vmem>>) target(%dma_start3A_181 : memref<128x16xf32, #tpu.memory_space<vmem_shared>>) target_semaphore(%run_scoped3A_177 : memref<!tpu.dma_semaphore, #tpu.memory_space<semaphore_mem>>)
      %dma_wait3A_182 = arith.constant 0 : i32
      %dma_wait3A_183 = tpu.memref_slice %arg8[%add3A_22, %dma_wait3A_182] : memref<10240x16xf32, #tpu.memory_space<vmem_shared>> -> memref<128x16xf32, #tpu.memory_space<vmem_shared>>
      %dma_wait3A_184 = arith.constant 0 : i32
      %dma_wait3A_185 = tpu.memref_slice %arg8[%add3A_22, %dma_wait3A_184] : memref<10240x16xf32, #tpu.memory_space<vmem_shared>> -> memref<128x16xf32, #tpu.memory_space<vmem_shared>>
      tpu.wait_dma2 semaphore(%run_scoped3A_177 : memref<!tpu.dma_semaphore, #tpu.memory_space<semaphore_mem>>) src(%arg13 : memref<128x16xf32, #tpu.memory_space<vmem>>) dst(%dma_wait3A_185 : memref<128x16xf32, #tpu.memory_space<vmem_shared>>)
      tpu.yield
    }) : () -> ()
    %add3A_23 = arith.constant 512 : i32
    %add3A_24 = arith.addi %mul3A_0, %add3A_23 : i32
    "tpu.region"() ({
      %run_scoped3A_177 = tpu.sem_alloc : memref<!tpu.dma_semaphore, #tpu.memory_space<semaphore_mem>>
      %dma_start3A_178 = arith.constant 0 : i32
      %dma_start3A_179 = tpu.memref_slice %arg9[%add3A_24, %dma_start3A_178] : memref<10240x16xf32, #tpu.memory_space<vmem_shared>> -> memref<128x16xf32, #tpu.memory_space<vmem_shared>>
      %dma_start3A_180 = arith.constant 0 : i32
      %dma_start3A_181 = tpu.memref_slice %arg9[%add3A_24, %dma_start3A_180] : memref<10240x16xf32, #tpu.memory_space<vmem_shared>> -> memref<128x16xf32, #tpu.memory_space<vmem_shared>>
      tpu.enqueue_dma source(%arg13 : memref<128x16xf32, #tpu.memory_space<vmem>>) target(%dma_start3A_181 : memref<128x16xf32, #tpu.memory_space<vmem_shared>>) target_semaphore(%run_scoped3A_177 : memref<!tpu.dma_semaphore, #tpu.memory_space<semaphore_mem>>)
      %dma_wait3A_182 = arith.constant 0 : i32
      %dma_wait3A_183 = tpu.memref_slice %arg9[%add3A_24, %dma_wait3A_182] : memref<10240x16xf32, #tpu.memory_space<vmem_shared>> -> memref<128x16xf32, #tpu.memory_space<vmem_shared>>
      %dma_wait3A_184 = arith.constant 0 : i32
      %dma_wait3A_185 = tpu.memref_slice %arg9[%add3A_24, %dma_wait3A_184] : memref<10240x16xf32, #tpu.memory_space<vmem_shared>> -> memref<128x16xf32, #tpu.memory_space<vmem_shared>>
      tpu.wait_dma2 semaphore(%run_scoped3A_177 : memref<!tpu.dma_semaphore, #tpu.memory_space<semaphore_mem>>) src(%arg13 : memref<128x16xf32, #tpu.memory_space<vmem>>) dst(%dma_wait3A_185 : memref<128x16xf32, #tpu.memory_space<vmem_shared>>)
      tpu.yield
    }) : () -> ()
    %barrier3A = arith.constant 0 : index
    tpu.barrier barrier_id(%barrier3A)
    %dma_start3A = arith.constant 0 : i32
    %dma_start3A_25 = arith.constant 0 : i32
    %dma_start3A_26 = tpu.memref_slice %arg10[%dma_start3A, %dma_start3A_25] : memref<79x128xi32, #tpu.memory_space<vmem>> -> memref<1x128xi32, #tpu.memory_space<vmem>>
    %dma_start3A_27 = tpu.memref_squeeze %dma_start3A_26 : memref<1x128xi32, #tpu.memory_space<vmem>> -> memref<128xi32, #tpu.memory_space<vmem>>
    %dma_start3A_28 = arith.constant 0 : i32
    %dma_start3A_29 = arith.constant 0 : i32
    %dma_start3A_30 = tpu.memref_slice %arg2[%dma_start3A_28, %dma_start3A_29] : memref<20000x16xf32, #tpu.memory_space<hbm>> -> memref<20000x16xf32, #tpu.memory_space<hbm>>
    tpu.enqueue_indirect_dma source(%dma_start3A_30 : memref<20000x16xf32, #tpu.memory_space<hbm>>) target(%arg13 : memref<128x16xf32, #tpu.memory_space<vmem>>) offsets(%dma_start3A_27 : memref<128xi32, #tpu.memory_space<vmem>>) semaphore(%arg16 : memref<!tpu.dma_semaphore, #tpu.memory_space<semaphore_mem>>)
    %scan3A_31 = arith.constant 0 : i32
    %scan3A_32 = arith.constant 0 : i32
    %scan3A_33 = arith.constant 79 : i32
    %scan3A_34 = arith.addi %scan3A_32, %scan3A_33 : i32
    %scan3A_35 = arith.constant 1 : i32
    scf.for %scan3A_177 = %scan3A_32 to %scan3A_34 step %scan3A_35  : i32 {
      %rem3A = arith.constant 2 : i32
      %rem3A_178 = arith.remsi %scan3A_177, %rem3A : i32
      %eq3A_179 = arith.constant 0 : i32
      %eq3A_180 = arith.cmpi eq, %rem3A_178, %eq3A_179 : i32
      %convert_element_type3A_181 = arith.extui %eq3A_180 : i1 to i32
      %cond3A_182 = arith.constant 0 : i32
      %cond3A_183 = arith.cmpi ne, %convert_element_type3A_181, %cond3A_182 : i32
      scf.if %cond3A_183 {
        %dma_wait3A_194 = arith.constant 0 : i32
        %dma_wait3A_195 = tpu.memref_slice %arg10[%scan3A_177, %dma_wait3A_194] : memref<79x128xi32, #tpu.memory_space<vmem>> -> memref<1x128xi32, #tpu.memory_space<vmem>>
        %dma_wait3A_196 = tpu.memref_squeeze %dma_wait3A_195 : memref<1x128xi32, #tpu.memory_space<vmem>> -> memref<128xi32, #tpu.memory_space<vmem>>
        %dma_wait3A_197 = arith.constant 0 : i32
        %dma_wait3A_198 = arith.constant 0 : i32
        %dma_wait3A_199 = tpu.memref_slice %arg2[%dma_wait3A_197, %dma_wait3A_198] : memref<20000x16xf32, #tpu.memory_space<hbm>> -> memref<20000x16xf32, #tpu.memory_space<hbm>>
        tpu.wait_indirect_dma semaphore(%arg16 : memref<!tpu.dma_semaphore, #tpu.memory_space<semaphore_mem>>) src(%dma_wait3A_199 : memref<20000x16xf32, #tpu.memory_space<hbm>>) dst(%arg13 : memref<128x16xf32, #tpu.memory_space<vmem>>)
        %dma_start3A_200 = arith.constant 0 : i32
        %dma_start3A_201 = tpu.memref_slice %arg12[%scan3A_177, %dma_start3A_200] : memref<79x128xi32, #tpu.memory_space<vmem>> -> memref<1x128xi32, #tpu.memory_space<vmem>>
        %dma_start3A_202 = tpu.memref_squeeze %dma_start3A_201 : memref<1x128xi32, #tpu.memory_space<vmem>> -> memref<128xi32, #tpu.memory_space<vmem>>
        %dma_start3A_203 = arith.constant 0 : i32
        %dma_start3A_204 = arith.constant 0 : i32
        %dma_start3A_205 = tpu.memref_slice %arg8[%dma_start3A_203, %dma_start3A_204] : memref<10240x16xf32, #tpu.memory_space<vmem_shared>> -> memref<10240x16xf32, #tpu.memory_space<vmem_shared>>
        tpu.enqueue_indirect_dma source(%arg13 : memref<128x16xf32, #tpu.memory_space<vmem>>) target(%dma_start3A_205 : memref<10240x16xf32, #tpu.memory_space<vmem_shared>>) offsets(%dma_start3A_202 : memref<128xi32, #tpu.memory_space<vmem>>) semaphore(%arg18 : memref<!tpu.dma_semaphore, #tpu.memory_space<semaphore_mem>>) {add = true}
      } else {
      }
      %not3A = arith.constant true
      %not3A_184 = arith.xori %eq3A_180, %not3A : i1
      %convert_element_type3A_185 = arith.extui %not3A_184 : i1 to i32
      %cond3A_186 = arith.constant 0 : i32
      %cond3A_187 = arith.cmpi ne, %convert_element_type3A_185, %cond3A_186 : i32
      scf.if %cond3A_187 {
        %dma_wait3A_194 = arith.constant 0 : i32
        %dma_wait3A_195 = tpu.memref_slice %arg10[%scan3A_177, %dma_wait3A_194] : memref<79x128xi32, #tpu.memory_space<vmem>> -> memref<1x128xi32, #tpu.memory_space<vmem>>
        %dma_wait3A_196 = tpu.memref_squeeze %dma_wait3A_195 : memref<1x128xi32, #tpu.memory_space<vmem>> -> memref<128xi32, #tpu.memory_space<vmem>>
        %dma_wait3A_197 = arith.constant 0 : i32
        %dma_wait3A_198 = arith.constant 0 : i32
        %dma_wait3A_199 = tpu.memref_slice %arg2[%dma_wait3A_197, %dma_wait3A_198] : memref<20000x16xf32, #tpu.memory_space<hbm>> -> memref<20000x16xf32, #tpu.memory_space<hbm>>
        tpu.wait_indirect_dma semaphore(%arg17 : memref<!tpu.dma_semaphore, #tpu.memory_space<semaphore_mem>>) src(%dma_wait3A_199 : memref<20000x16xf32, #tpu.memory_space<hbm>>) dst(%arg14 : memref<128x16xf32, #tpu.memory_space<vmem>>)
        %dma_start3A_200 = arith.constant 0 : i32
        %dma_start3A_201 = tpu.memref_slice %arg12[%scan3A_177, %dma_start3A_200] : memref<79x128xi32, #tpu.memory_space<vmem>> -> memref<1x128xi32, #tpu.memory_space<vmem>>
        %dma_start3A_202 = tpu.memref_squeeze %dma_start3A_201 : memref<1x128xi32, #tpu.memory_space<vmem>> -> memref<128xi32, #tpu.memory_space<vmem>>
        %dma_start3A_203 = arith.constant 0 : i32
        %dma_start3A_204 = arith.constant 0 : i32
        %dma_start3A_205 = tpu.memref_slice %arg8[%dma_start3A_203, %dma_start3A_204] : memref<10240x16xf32, #tpu.memory_space<vmem_shared>> -> memref<10240x16xf32, #tpu.memory_space<vmem_shared>>
        tpu.enqueue_indirect_dma source(%arg14 : memref<128x16xf32, #tpu.memory_space<vmem>>) target(%dma_start3A_205 : memref<10240x16xf32, #tpu.memory_space<vmem_shared>>) offsets(%dma_start3A_202 : memref<128xi32, #tpu.memory_space<vmem>>) semaphore(%arg19 : memref<!tpu.dma_semaphore, #tpu.memory_space<semaphore_mem>>) {add = true}
      } else {
      }
      %add3A_188 = arith.constant 1 : i32
      %add3A_189 = arith.addi %scan3A_177, %add3A_188 : i32
      %lt3A = arith.constant 79 : i32
      %lt3A_190 = arith.cmpi slt, %add3A_189, %lt3A : i32
      %convert_element_type3A_191 = arith.extui %lt3A_190 : i1 to i32
      %cond3A_192 = arith.constant 0 : i32
      %cond3A_193 = arith.cmpi ne, %convert_element_type3A_191, %cond3A_192 : i32
      scf.if %cond3A_193 {
        %convert_element_type3A_194 = arith.extui %eq3A_180 : i1 to i32
        %cond3A_195 = arith.constant 0 : i32
        %cond3A_196 = arith.cmpi ne, %convert_element_type3A_194, %cond3A_195 : i32
        scf.if %cond3A_196 {
          %ge3A = arith.constant 1 : i32
          %ge3A_202 = arith.cmpi sge, %scan3A_177, %ge3A : i32
          %convert_element_type3A_203 = arith.extui %ge3A_202 : i1 to i32
          %cond3A_204 = arith.constant 0 : i32
          %cond3A_205 = arith.cmpi ne, %convert_element_type3A_203, %cond3A_204 : i32
          scf.if %cond3A_205 {
            %dma_wait3A_214 = arith.constant 0 : i32
            %dma_wait3A_215 = tpu.memref_slice %arg12[%scan3A_177, %dma_wait3A_214] : memref<79x128xi32, #tpu.memory_space<vmem>> -> memref<1x128xi32, #tpu.memory_space<vmem>>
            %dma_wait3A_216 = tpu.memref_squeeze %dma_wait3A_215 : memref<1x128xi32, #tpu.memory_space<vmem>> -> memref<128xi32, #tpu.memory_space<vmem>>
            %dma_wait3A_217 = arith.constant 0 : i32
            %dma_wait3A_218 = arith.constant 0 : i32
            %dma_wait3A_219 = tpu.memref_slice %arg8[%dma_wait3A_217, %dma_wait3A_218] : memref<10240x16xf32, #tpu.memory_space<vmem_shared>> -> memref<10240x16xf32, #tpu.memory_space<vmem_shared>>
            tpu.wait_indirect_dma semaphore(%arg19 : memref<!tpu.dma_semaphore, #tpu.memory_space<semaphore_mem>>) src(%arg14 : memref<128x16xf32, #tpu.memory_space<vmem>>) dst(%dma_wait3A_219 : memref<10240x16xf32, #tpu.memory_space<vmem_shared>>)
          } else {
          }
          %add3A_206 = arith.constant 1 : i32
          %add3A_207 = arith.addi %scan3A_177, %add3A_206 : i32
          %dma_start3A_208 = arith.constant 0 : i32
          %dma_start3A_209 = tpu.memref_slice %arg10[%add3A_207, %dma_start3A_208] : memref<79x128xi32, #tpu.memory_space<vmem>> -> memref<1x128xi32, #tpu.memory_space<vmem>>
          %dma_start3A_210 = tpu.memref_squeeze %dma_start3A_209 : memref<1x128xi32, #tpu.memory_space<vmem>> -> memref<128xi32, #tpu.memory_space<vmem>>
          %dma_start3A_211 = arith.constant 0 : i32
          %dma_start3A_212 = arith.constant 0 : i32
          %dma_start3A_213 = tpu.memref_slice %arg2[%dma_start3A_211, %dma_start3A_212] : memref<20000x16xf32, #tpu.memory_space<hbm>> -> memref<20000x16xf32, #tpu.memory_space<hbm>>
          tpu.enqueue_indirect_dma source(%dma_start3A_213 : memref<20000x16xf32, #tpu.memory_space<hbm>>) target(%arg14 : memref<128x16xf32, #tpu.memory_space<vmem>>) offsets(%dma_start3A_210 : memref<128xi32, #tpu.memory_space<vmem>>) semaphore(%arg17 : memref<!tpu.dma_semaphore, #tpu.memory_space<semaphore_mem>>)
        } else {
        }
        %not3A_197 = arith.constant true
        %not3A_198 = arith.xori %eq3A_180, %not3A_197 : i1
        %convert_element_type3A_199 = arith.extui %not3A_198 : i1 to i32
        %cond3A_200 = arith.constant 0 : i32
        %cond3A_201 = arith.cmpi ne, %convert_element_type3A_199, %cond3A_200 : i32
        scf.if %cond3A_201 {
          %dma_wait3A_202 = arith.constant 0 : i32
          %dma_wait3A_203 = tpu.memref_slice %arg12[%scan3A_177, %dma_wait3A_202] : memref<79x128xi32, #tpu.memory_space<vmem>> -> memref<1x128xi32, #tpu.memory_space<vmem>>
          %dma_wait3A_204 = tpu.memref_squeeze %dma_wait3A_203 : memref<1x128xi32, #tpu.memory_space<vmem>> -> memref<128xi32, #tpu.memory_space<vmem>>
          %dma_wait3A_205 = arith.constant 0 : i32
          %dma_wait3A_206 = arith.constant 0 : i32
          %dma_wait3A_207 = tpu.memref_slice %arg8[%dma_wait3A_205, %dma_wait3A_206] : memref<10240x16xf32, #tpu.memory_space<vmem_shared>> -> memref<10240x16xf32, #tpu.memory_space<vmem_shared>>
          tpu.wait_indirect_dma semaphore(%arg18 : memref<!tpu.dma_semaphore, #tpu.memory_space<semaphore_mem>>) src(%arg13 : memref<128x16xf32, #tpu.memory_space<vmem>>) dst(%dma_wait3A_207 : memref<10240x16xf32, #tpu.memory_space<vmem_shared>>)
          %add3A_208 = arith.constant 1 : i32
          %add3A_209 = arith.addi %scan3A_177, %add3A_208 : i32
          %dma_start3A_210 = arith.constant 0 : i32
          %dma_start3A_211 = tpu.memref_slice %arg10[%add3A_209, %dma_start3A_210] : memref<79x128xi32, #tpu.memory_space<vmem>> -> memref<1x128xi32, #tpu.memory_space<vmem>>
          %dma_start3A_212 = tpu.memref_squeeze %dma_start3A_211 : memref<1x128xi32, #tpu.memory_space<vmem>> -> memref<128xi32, #tpu.memory_space<vmem>>
          %dma_start3A_213 = arith.constant 0 : i32
          %dma_start3A_214 = arith.constant 0 : i32
          %dma_start3A_215 = tpu.memref_slice %arg2[%dma_start3A_213, %dma_start3A_214] : memref<20000x16xf32, #tpu.memory_space<hbm>> -> memref<20000x16xf32, #tpu.memory_space<hbm>>
          tpu.enqueue_indirect_dma source(%dma_start3A_215 : memref<20000x16xf32, #tpu.memory_space<hbm>>) target(%arg13 : memref<128x16xf32, #tpu.memory_space<vmem>>) offsets(%dma_start3A_212 : memref<128xi32, #tpu.memory_space<vmem>>) semaphore(%arg16 : memref<!tpu.dma_semaphore, #tpu.memory_space<semaphore_mem>>)
        } else {
        }
      } else {
      }
    }
    %scan3A_36 = arith.constant 79 : i32
    %dma_wait3A = arith.constant 0 : i32
    %dma_wait3A_37 = arith.constant 0 : i32
    %dma_wait3A_38 = tpu.memref_slice %arg12[%dma_wait3A, %dma_wait3A_37] : memref<79x128xi32, #tpu.memory_space<vmem>> -> memref<1x128xi32, #tpu.memory_space<vmem>>
    %dma_wait3A_39 = tpu.memref_squeeze %dma_wait3A_38 : memref<1x128xi32, #tpu.memory_space<vmem>> -> memref<128xi32, #tpu.memory_space<vmem>>
    %dma_wait3A_40 = arith.constant 0 : i32
    %dma_wait3A_41 = arith.constant 0 : i32
    %dma_wait3A_42 = tpu.memref_slice %arg8[%dma_wait3A_40, %dma_wait3A_41] : memref<10240x16xf32, #tpu.memory_space<vmem_shared>> -> memref<10240x16xf32, #tpu.memory_space<vmem_shared>>
    tpu.wait_indirect_dma semaphore(%arg18 : memref<!tpu.dma_semaphore, #tpu.memory_space<semaphore_mem>>) src(%arg13 : memref<128x16xf32, #tpu.memory_space<vmem>>) dst(%dma_wait3A_42 : memref<10240x16xf32, #tpu.memory_space<vmem_shared>>)
    %dma_wait3A_43 = arith.constant 0 : i32
    %dma_wait3A_44 = arith.constant 0 : i32
    %dma_wait3A_45 = tpu.memref_slice %arg12[%dma_wait3A_43, %dma_wait3A_44] : memref<79x128xi32, #tpu.memory_space<vmem>> -> memref<1x128xi32, #tpu.memory_space<vmem>>
    %dma_wait3A_46 = tpu.memref_squeeze %dma_wait3A_45 : memref<1x128xi32, #tpu.memory_space<vmem>> -> memref<128xi32, #tpu.memory_space<vmem>>
    %dma_wait3A_47 = arith.constant 0 : i32
    %dma_wait3A_48 = arith.constant 0 : i32
    %dma_wait3A_49 = tpu.memref_slice %arg8[%dma_wait3A_47, %dma_wait3A_48] : memref<10240x16xf32, #tpu.memory_space<vmem_shared>> -> memref<10240x16xf32, #tpu.memory_space<vmem_shared>>
    tpu.wait_indirect_dma semaphore(%arg19 : memref<!tpu.dma_semaphore, #tpu.memory_space<semaphore_mem>>) src(%arg14 : memref<128x16xf32, #tpu.memory_space<vmem>>) dst(%dma_wait3A_49 : memref<10240x16xf32, #tpu.memory_space<vmem_shared>>)
    %barrier3A_50 = arith.constant 0 : index
    tpu.barrier barrier_id(%barrier3A_50)
    %add3A_51 = arith.constant 0 : i32
    %add3A_52 = arith.addi %mul3A_0, %add3A_51 : i32
    "tpu.region"() ({
      %run_scoped3A_177 = tpu.sem_alloc : memref<!tpu.dma_semaphore, #tpu.memory_space<semaphore_mem>>
      %dma_start3A_178 = arith.constant 0 : i32
      %dma_start3A_179 = tpu.memref_slice %arg8[%add3A_52, %dma_start3A_178] : memref<10240x16xf32, #tpu.memory_space<vmem_shared>> -> memref<128x16xf32, #tpu.memory_space<vmem_shared>>
      %dma_start3A_180 = arith.constant 0 : i32
      %dma_start3A_181 = tpu.memref_slice %arg8[%add3A_52, %dma_start3A_180] : memref<10240x16xf32, #tpu.memory_space<vmem_shared>> -> memref<128x16xf32, #tpu.memory_space<vmem_shared>>
      tpu.enqueue_dma source(%dma_start3A_181 : memref<128x16xf32, #tpu.memory_space<vmem_shared>>) target(%arg13 : memref<128x16xf32, #tpu.memory_space<vmem>>) target_semaphore(%run_scoped3A_177 : memref<!tpu.dma_semaphore, #tpu.memory_space<semaphore_mem>>)
      %dma_wait3A_182 = arith.constant 0 : i32
      %dma_wait3A_183 = tpu.memref_slice %arg8[%add3A_52, %dma_wait3A_182] : memref<10240x16xf32, #tpu.memory_space<vmem_shared>> -> memref<128x16xf32, #tpu.memory_space<vmem_shared>>
      %dma_wait3A_184 = arith.constant 0 : i32
      %dma_wait3A_185 = tpu.memref_slice %arg8[%add3A_52, %dma_wait3A_184] : memref<10240x16xf32, #tpu.memory_space<vmem_shared>> -> memref<128x16xf32, #tpu.memory_space<vmem_shared>>
      tpu.wait_dma2 semaphore(%run_scoped3A_177 : memref<!tpu.dma_semaphore, #tpu.memory_space<semaphore_mem>>) src(%dma_wait3A_185 : memref<128x16xf32, #tpu.memory_space<vmem_shared>>) dst(%arg13 : memref<128x16xf32, #tpu.memory_space<vmem>>)
      tpu.yield
    }) : () -> ()
    "tpu.region"() ({
      %run_scoped3A_177 = tpu.sem_alloc : memref<!tpu.dma_semaphore, #tpu.memory_space<semaphore_mem>>
      %dma_start3A_178 = arith.constant 0 : i32
      %dma_start3A_179 = arith.constant 0 : i32
      %dma_start3A_180 = tpu.memref_slice %arg3[%arg0, %dma_start3A_178, %dma_start3A_179] : memref<2x10240x16xf32, #tpu.memory_space<hbm>> -> memref<1x10240x16xf32, #tpu.memory_space<hbm>>
      %dma_start3A_181 = tpu.memref_squeeze %dma_start3A_180 : memref<1x10240x16xf32, #tpu.memory_space<hbm>> -> memref<10240x16xf32, #tpu.memory_space<hbm>>
      %dma_start3A_182 = arith.constant 0 : i32
      %dma_start3A_183 = tpu.memref_slice %dma_start3A_181[%add3A_52, %dma_start3A_182] : memref<10240x16xf32, #tpu.memory_space<hbm>> -> memref<128x16xf32, #tpu.memory_space<hbm>>
      %dma_start3A_184 = arith.constant 0 : i32
      %dma_start3A_185 = arith.constant 0 : i32
      %dma_start3A_186 = tpu.memref_slice %arg3[%arg0, %dma_start3A_184, %dma_start3A_185] : memref<2x10240x16xf32, #tpu.memory_space<hbm>> -> memref<1x10240x16xf32, #tpu.memory_space<hbm>>
      %dma_start3A_187 = tpu.memref_squeeze %dma_start3A_186 : memref<1x10240x16xf32, #tpu.memory_space<hbm>> -> memref<10240x16xf32, #tpu.memory_space<hbm>>
      %dma_start3A_188 = arith.constant 0 : i32
      %dma_start3A_189 = tpu.memref_slice %dma_start3A_187[%add3A_52, %dma_start3A_188] : memref<10240x16xf32, #tpu.memory_space<hbm>> -> memref<128x16xf32, #tpu.memory_space<hbm>>
      tpu.enqueue_dma source(%dma_start3A_189 : memref<128x16xf32, #tpu.memory_space<hbm>>) target(%arg15 : memref<128x16xf32, #tpu.memory_space<vmem>>) target_semaphore(%run_scoped3A_177 : memref<!tpu.dma_semaphore, #tpu.memory_space<semaphore_mem>>)
      %dma_wait3A_190 = arith.constant 0 : i32
      %dma_wait3A_191 = arith.constant 0 : i32
      %dma_wait3A_192 = tpu.memref_slice %arg3[%arg0, %dma_wait3A_190, %dma_wait3A_191] : memref<2x10240x16xf32, #tpu.memory_space<hbm>> -> memref<1x10240x16xf32, #tpu.memory_space<hbm>>
      %dma_wait3A_193 = tpu.memref_squeeze %dma_wait3A_192 : memref<1x10240x16xf32, #tpu.memory_space<hbm>> -> memref<10240x16xf32, #tpu.memory_space<hbm>>
      %dma_wait3A_194 = arith.constant 0 : i32
      %dma_wait3A_195 = tpu.memref_slice %dma_wait3A_193[%add3A_52, %dma_wait3A_194] : memref<10240x16xf32, #tpu.memory_space<hbm>> -> memref<128x16xf32, #tpu.memory_space<hbm>>
      %dma_wait3A_196 = arith.constant 0 : i32
      %dma_wait3A_197 = arith.constant 0 : i32
      %dma_wait3A_198 = tpu.memref_slice %arg3[%arg0, %dma_wait3A_196, %dma_wait3A_197] : memref<2x10240x16xf32, #tpu.memory_space<hbm>> -> memref<1x10240x16xf32, #tpu.memory_space<hbm>>
      %dma_wait3A_199 = tpu.memref_squeeze %dma_wait3A_198 : memref<1x10240x16xf32, #tpu.memory_space<hbm>> -> memref<10240x16xf32, #tpu.memory_space<hbm>>
      %dma_wait3A_200 = arith.constant 0 : i32
      %dma_wait3A_201 = tpu.memref_slice %dma_wait3A_199[%add3A_52, %dma_wait3A_200] : memref<10240x16xf32, #tpu.memory_space<hbm>> -> memref<128x16xf32, #tpu.memory_space<hbm>>
      tpu.wait_dma2 semaphore(%run_scoped3A_177 : memref<!tpu.dma_semaphore, #tpu.memory_space<semaphore_mem>>) src(%dma_wait3A_201 : memref<128x16xf32, #tpu.memory_space<hbm>>) dst(%arg15 : memref<128x16xf32, #tpu.memory_space<vmem>>)
      tpu.yield
    }) : () -> ()
    %scan3A_53 = arith.constant 0 : i32
    %scan3A_54 = arith.constant 0 : i32
    %scan3A_55 = arith.constant 128 : i32
    %scan3A_56 = arith.addi %scan3A_54, %scan3A_55 : i32
    %scan3A_57 = arith.constant 1 : i32
    scf.for %scan3A_177 = %scan3A_54 to %scan3A_56 step %scan3A_57  : i32 {
      %get3A = arith.index_cast %scan3A_177 : i32 to index
      %get3A_178 = arith.constant 0 : index
      %get3A_179 = tpu.vector_load %arg13[%get3A, %get3A_178] {strides = array<i32>} : memref<128x16xf32, #tpu.memory_space<vmem>>, vector<1x16xf32>,
      %get3A_180 = vector.shape_cast %get3A_179 : vector<1x16xf32> to vector<16xf32>
      %get3A_181 = arith.index_cast %scan3A_177 : i32 to index
      %get3A_182 = arith.constant 0 : index
      %get3A_183 = tpu.vector_load %arg15[%get3A_181, %get3A_182] {strides = array<i32>} : memref<128x16xf32, #tpu.memory_space<vmem>>, vector<1x16xf32>,
      %get3A_184 = vector.shape_cast %get3A_183 : vector<1x16xf32> to vector<16xf32>
      %max3A = arith.constant 0.000000e+00 : f32
      %max3A_185 = vector.broadcast %max3A : f32 to vector<16xf32>
      %max3A_186 = arith.maximumf %get3A_180, %max3A_185 : vector<16xf32>
      %mul3A_187 = arith.constant 1.000000e-01 : f32
      %mul3A_188 = vector.broadcast %mul3A_187 : f32 to vector<16xf32>
      %mul3A_189 = arith.mulf %mul3A_188, %get3A_184 : vector<16xf32>
      %add3A_190 = arith.addf %max3A_186, %mul3A_189 : vector<16xf32>
      %swap3A = arith.index_cast %scan3A_177 : i32 to index
      %swap3A_191 = arith.constant 0 : index
      %swap3A_192 = tpu.vector_load %arg13[%swap3A, %swap3A_191] {strides = array<i32>} : memref<128x16xf32, #tpu.memory_space<vmem>>, vector<1x16xf32>,
      %swap3A_193 = vector.shape_cast %swap3A_192 : vector<1x16xf32> to vector<16xf32>
      %swap3A_194 = vector.shape_cast %add3A_190 : vector<16xf32> to vector<1x16xf32>
      tpu.vector_store %arg13[%swap3A, %swap3A_191], %swap3A_194 {strides = array<i32>} : memref<128x16xf32, #tpu.memory_space<vmem>>, vector<1x16xf32>,
    }
    %scan3A_58 = arith.constant 128 : i32
    "tpu.region"() ({
      %run_scoped3A_177 = tpu.sem_alloc : memref<!tpu.dma_semaphore, #tpu.memory_space<semaphore_mem>>
      %dma_start3A_178 = arith.constant 0 : i32
      %dma_start3A_179 = tpu.memref_slice %arg8[%add3A_52, %dma_start3A_178] : memref<10240x16xf32, #tpu.memory_space<vmem_shared>> -> memref<128x16xf32, #tpu.memory_space<vmem_shared>>
      %dma_start3A_180 = arith.constant 0 : i32
      %dma_start3A_181 = tpu.memref_slice %arg8[%add3A_52, %dma_start3A_180] : memref<10240x16xf32, #tpu.memory_space<vmem_shared>> -> memref<128x16xf32, #tpu.memory_space<vmem_shared>>
      tpu.enqueue_dma source(%arg13 : memref<128x16xf32, #tpu.memory_space<vmem>>) target(%dma_start3A_181 : memref<128x16xf32, #tpu.memory_space<vmem_shared>>) target_semaphore(%run_scoped3A_177 : memref<!tpu.dma_semaphore, #tpu.memory_space<semaphore_mem>>)
      %dma_wait3A_182 = arith.constant 0 : i32
      %dma_wait3A_183 = tpu.memref_slice %arg8[%add3A_52, %dma_wait3A_182] : memref<10240x16xf32, #tpu.memory_space<vmem_shared>> -> memref<128x16xf32, #tpu.memory_space<vmem_shared>>
      %dma_wait3A_184 = arith.constant 0 : i32
      %dma_wait3A_185 = tpu.memref_slice %arg8[%add3A_52, %dma_wait3A_184] : memref<10240x16xf32, #tpu.memory_space<vmem_shared>> -> memref<128x16xf32, #tpu.memory_space<vmem_shared>>
      tpu.wait_dma2 semaphore(%run_scoped3A_177 : memref<!tpu.dma_semaphore, #tpu.memory_space<semaphore_mem>>) src(%arg13 : memref<128x16xf32, #tpu.memory_space<vmem>>) dst(%dma_wait3A_185 : memref<128x16xf32, #tpu.memory_space<vmem_shared>>)
      tpu.yield
    }) : () -> ()
    %add3A_59 = arith.constant 128 : i32
    %add3A_60 = arith.addi %mul3A_0, %add3A_59 : i32
    "tpu.region"() ({
      %run_scoped3A_177 = tpu.sem_alloc : memref<!tpu.dma_semaphore, #tpu.memory_space<semaphore_mem>>
      %dma_start3A_178 = arith.constant 0 : i32
      %dma_start3A_179 = tpu.memref_slice %arg8[%add3A_60, %dma_start3A_178] : memref<10240x16xf32, #tpu.memory_space<vmem_shared>> -> memref<128x16xf32, #tpu.memory_space<vmem_shared>>
      %dma_start3A_180 = arith.constant 0 : i32
      %dma_start3A_181 = tpu.memref_slice %arg8[%add3A_60, %dma_start3A_180] : memref<10240x16xf32, #tpu.memory_space<vmem_shared>> -> memref<128x16xf32, #tpu.memory_space<vmem_shared>>
      tpu.enqueue_dma source(%dma_start3A_181 : memref<128x16xf32, #tpu.memory_space<vmem_shared>>) target(%arg13 : memref<128x16xf32, #tpu.memory_space<vmem>>) target_semaphore(%run_scoped3A_177 : memref<!tpu.dma_semaphore, #tpu.memory_space<semaphore_mem>>)
      %dma_wait3A_182 = arith.constant 0 : i32
      %dma_wait3A_183 = tpu.memref_slice %arg8[%add3A_60, %dma_wait3A_182] : memref<10240x16xf32, #tpu.memory_space<vmem_shared>> -> memref<128x16xf32, #tpu.memory_space<vmem_shared>>
      %dma_wait3A_184 = arith.constant 0 : i32
      %dma_wait3A_185 = tpu.memref_slice %arg8[%add3A_60, %dma_wait3A_184] : memref<10240x16xf32, #tpu.memory_space<vmem_shared>> -> memref<128x16xf32, #tpu.memory_space<vmem_shared>>
      tpu.wait_dma2 semaphore(%run_scoped3A_177 : memref<!tpu.dma_semaphore, #tpu.memory_space<semaphore_mem>>) src(%dma_wait3A_185 : memref<128x16xf32, #tpu.memory_space<vmem_shared>>) dst(%arg13 : memref<128x16xf32, #tpu.memory_space<vmem>>)
      tpu.yield
    }) : () -> ()
    "tpu.region"() ({
      %run_scoped3A_177 = tpu.sem_alloc : memref<!tpu.dma_semaphore, #tpu.memory_space<semaphore_mem>>
      %dma_start3A_178 = arith.constant 0 : i32
      %dma_start3A_179 = arith.constant 0 : i32
      %dma_start3A_180 = tpu.memref_slice %arg3[%arg0, %dma_start3A_178, %dma_start3A_179] : memref<2x10240x16xf32, #tpu.memory_space<hbm>> -> memref<1x10240x16xf32, #tpu.memory_space<hbm>>
      %dma_start3A_181 = tpu.memref_squeeze %dma_start3A_180 : memref<1x10240x16xf32, #tpu.memory_space<hbm>> -> memref<10240x16xf32, #tpu.memory_space<hbm>>
      %dma_start3A_182 = arith.constant 0 : i32
      %dma_start3A_183 = tpu.memref_slice %dma_start3A_181[%add3A_60, %dma_start3A_182] : memref<10240x16xf32, #tpu.memory_space<hbm>> -> memref<128x16xf32, #tpu.memory_space<hbm>>
      %dma_start3A_184 = arith.constant 0 : i32
      %dma_start3A_185 = arith.constant 0 : i32
      %dma_start3A_186 = tpu.memref_slice %arg3[%arg0, %dma_start3A_184, %dma_start3A_185] : memref<2x10240x16xf32, #tpu.memory_space<hbm>> -> memref<1x10240x16xf32, #tpu.memory_space<hbm>>
      %dma_start3A_187 = tpu.memref_squeeze %dma_start3A_186 : memref<1x10240x16xf32, #tpu.memory_space<hbm>> -> memref<10240x16xf32, #tpu.memory_space<hbm>>
      %dma_start3A_188 = arith.constant 0 : i32
      %dma_start3A_189 = tpu.memref_slice %dma_start3A_187[%add3A_60, %dma_start3A_188] : memref<10240x16xf32, #tpu.memory_space<hbm>> -> memref<128x16xf32, #tpu.memory_space<hbm>>
      tpu.enqueue_dma source(%dma_start3A_189 : memref<128x16xf32, #tpu.memory_space<hbm>>) target(%arg15 : memref<128x16xf32, #tpu.memory_space<vmem>>) target_semaphore(%run_scoped3A_177 : memref<!tpu.dma_semaphore, #tpu.memory_space<semaphore_mem>>)
      %dma_wait3A_190 = arith.constant 0 : i32
      %dma_wait3A_191 = arith.constant 0 : i32
      %dma_wait3A_192 = tpu.memref_slice %arg3[%arg0, %dma_wait3A_190, %dma_wait3A_191] : memref<2x10240x16xf32, #tpu.memory_space<hbm>> -> memref<1x10240x16xf32, #tpu.memory_space<hbm>>
      %dma_wait3A_193 = tpu.memref_squeeze %dma_wait3A_192 : memref<1x10240x16xf32, #tpu.memory_space<hbm>> -> memref<10240x16xf32, #tpu.memory_space<hbm>>
      %dma_wait3A_194 = arith.constant 0 : i32
      %dma_wait3A_195 = tpu.memref_slice %dma_wait3A_193[%add3A_60, %dma_wait3A_194] : memref<10240x16xf32, #tpu.memory_space<hbm>> -> memref<128x16xf32, #tpu.memory_space<hbm>>
      %dma_wait3A_196 = arith.constant 0 : i32
      %dma_wait3A_197 = arith.constant 0 : i32
      %dma_wait3A_198 = tpu.memref_slice %arg3[%arg0, %dma_wait3A_196, %dma_wait3A_197] : memref<2x10240x16xf32, #tpu.memory_space<hbm>> -> memref<1x10240x16xf32, #tpu.memory_space<hbm>>
      %dma_wait3A_199 = tpu.memref_squeeze %dma_wait3A_198 : memref<1x10240x16xf32, #tpu.memory_space<hbm>> -> memref<10240x16xf32, #tpu.memory_space<hbm>>
      %dma_wait3A_200 = arith.constant 0 : i32
      %dma_wait3A_201 = tpu.memref_slice %dma_wait3A_199[%add3A_60, %dma_wait3A_200] : memref<10240x16xf32, #tpu.memory_space<hbm>> -> memref<128x16xf32, #tpu.memory_space<hbm>>
      tpu.wait_dma2 semaphore(%run_scoped3A_177 : memref<!tpu.dma_semaphore, #tpu.memory_space<semaphore_mem>>) src(%dma_wait3A_201 : memref<128x16xf32, #tpu.memory_space<hbm>>) dst(%arg15 : memref<128x16xf32, #tpu.memory_space<vmem>>)
      tpu.yield
    }) : () -> ()
    %scan3A_61 = arith.constant 0 : i32
    %scan3A_62 = arith.constant 0 : i32
    %scan3A_63 = arith.constant 128 : i32
    %scan3A_64 = arith.addi %scan3A_62, %scan3A_63 : i32
    %scan3A_65 = arith.constant 1 : i32
    scf.for %scan3A_177 = %scan3A_62 to %scan3A_64 step %scan3A_65  : i32 {
      %get3A = arith.index_cast %scan3A_177 : i32 to index
      %get3A_178 = arith.constant 0 : index
      %get3A_179 = tpu.vector_load %arg13[%get3A, %get3A_178] {strides = array<i32>} : memref<128x16xf32, #tpu.memory_space<vmem>>, vector<1x16xf32>,
      %get3A_180 = vector.shape_cast %get3A_179 : vector<1x16xf32> to vector<16xf32>
      %get3A_181 = arith.index_cast %scan3A_177 : i32 to index
      %get3A_182 = arith.constant 0 : index
      %get3A_183 = tpu.vector_load %arg15[%get3A_181, %get3A_182] {strides = array<i32>} : memref<128x16xf32, #tpu.memory_space<vmem>>, vector<1x16xf32>,
      %get3A_184 = vector.shape_cast %get3A_183 : vector<1x16xf32> to vector<16xf32>
      %max3A = arith.constant 0.000000e+00 : f32
      %max3A_185 = vector.broadcast %max3A : f32 to vector<16xf32>
      %max3A_186 = arith.maximumf %get3A_180, %max3A_185 : vector<16xf32>
      %mul3A_187 = arith.constant 1.000000e-01 : f32
      %mul3A_188 = vector.broadcast %mul3A_187 : f32 to vector<16xf32>
      %mul3A_189 = arith.mulf %mul3A_188, %get3A_184 : vector<16xf32>
      %add3A_190 = arith.addf %max3A_186, %mul3A_189 : vector<16xf32>
      %swap3A = arith.index_cast %scan3A_177 : i32 to index
      %swap3A_191 = arith.constant 0 : index
      %swap3A_192 = tpu.vector_load %arg13[%swap3A, %swap3A_191] {strides = array<i32>} : memref<128x16xf32, #tpu.memory_space<vmem>>, vector<1x16xf32>,
      %swap3A_193 = vector.shape_cast %swap3A_192 : vector<1x16xf32> to vector<16xf32>
      %swap3A_194 = vector.shape_cast %add3A_190 : vector<16xf32> to vector<1x16xf32>
      tpu.vector_store %arg13[%swap3A, %swap3A_191], %swap3A_194 {strides = array<i32>} : memref<128x16xf32, #tpu.memory_space<vmem>>, vector<1x16xf32>,
    }
    %scan3A_66 = arith.constant 128 : i32
    "tpu.region"() ({
      %run_scoped3A_177 = tpu.sem_alloc : memref<!tpu.dma_semaphore, #tpu.memory_space<semaphore_mem>>
      %dma_start3A_178 = arith.constant 0 : i32
      %dma_start3A_179 = tpu.memref_slice %arg8[%add3A_60, %dma_start3A_178] : memref<10240x16xf32, #tpu.memory_space<vmem_shared>> -> memref<128x16xf32, #tpu.memory_space<vmem_shared>>
      %dma_start3A_180 = arith.constant 0 : i32
      %dma_start3A_181 = tpu.memref_slice %arg8[%add3A_60, %dma_start3A_180] : memref<10240x16xf32, #tpu.memory_space<vmem_shared>> -> memref<128x16xf32, #tpu.memory_space<vmem_shared>>
      tpu.enqueue_dma source(%arg13 : memref<128x16xf32, #tpu.memory_space<vmem>>) target(%dma_start3A_181 : memref<128x16xf32, #tpu.memory_space<vmem_shared>>) target_semaphore(%run_scoped3A_177 : memref<!tpu.dma_semaphore, #tpu.memory_space<semaphore_mem>>)
      %dma_wait3A_182 = arith.constant 0 : i32
      %dma_wait3A_183 = tpu.memref_slice %arg8[%add3A_60, %dma_wait3A_182] : memref<10240x16xf32, #tpu.memory_space<vmem_shared>> -> memref<128x16xf32, #tpu.memory_space<vmem_shared>>
      %dma_wait3A_184 = arith.constant 0 : i32
      %dma_wait3A_185 = tpu.memref_slice %arg8[%add3A_60, %dma_wait3A_184] : memref<10240x16xf32, #tpu.memory_space<vmem_shared>> -> memref<128x16xf32, #tpu.memory_space<vmem_shared>>
      tpu.wait_dma2 semaphore(%run_scoped3A_177 : memref<!tpu.dma_semaphore, #tpu.memory_space<semaphore_mem>>) src(%arg13 : memref<128x16xf32, #tpu.memory_space<vmem>>) dst(%dma_wait3A_185 : memref<128x16xf32, #tpu.memory_space<vmem_shared>>)
      tpu.yield
    }) : () -> ()
    %add3A_67 = arith.constant 256 : i32
    %add3A_68 = arith.addi %mul3A_0, %add3A_67 : i32
    "tpu.region"() ({
      %run_scoped3A_177 = tpu.sem_alloc : memref<!tpu.dma_semaphore, #tpu.memory_space<semaphore_mem>>
      %dma_start3A_178 = arith.constant 0 : i32
      %dma_start3A_179 = tpu.memref_slice %arg8[%add3A_68, %dma_start3A_178] : memref<10240x16xf32, #tpu.memory_space<vmem_shared>> -> memref<128x16xf32, #tpu.memory_space<vmem_shared>>
      %dma_start3A_180 = arith.constant 0 : i32
      %dma_start3A_181 = tpu.memref_slice %arg8[%add3A_68, %dma_start3A_180] : memref<10240x16xf32, #tpu.memory_space<vmem_shared>> -> memref<128x16xf32, #tpu.memory_space<vmem_shared>>
      tpu.enqueue_dma source(%dma_start3A_181 : memref<128x16xf32, #tpu.memory_space<vmem_shared>>) target(%arg13 : memref<128x16xf32, #tpu.memory_space<vmem>>) target_semaphore(%run_scoped3A_177 : memref<!tpu.dma_semaphore, #tpu.memory_space<semaphore_mem>>)
      %dma_wait3A_182 = arith.constant 0 : i32
      %dma_wait3A_183 = tpu.memref_slice %arg8[%add3A_68, %dma_wait3A_182] : memref<10240x16xf32, #tpu.memory_space<vmem_shared>> -> memref<128x16xf32, #tpu.memory_space<vmem_shared>>
      %dma_wait3A_184 = arith.constant 0 : i32
      %dma_wait3A_185 = tpu.memref_slice %arg8[%add3A_68, %dma_wait3A_184] : memref<10240x16xf32, #tpu.memory_space<vmem_shared>> -> memref<128x16xf32, #tpu.memory_space<vmem_shared>>
      tpu.wait_dma2 semaphore(%run_scoped3A_177 : memref<!tpu.dma_semaphore, #tpu.memory_space<semaphore_mem>>) src(%dma_wait3A_185 : memref<128x16xf32, #tpu.memory_space<vmem_shared>>) dst(%arg13 : memref<128x16xf32, #tpu.memory_space<vmem>>)
      tpu.yield
    }) : () -> ()
    "tpu.region"() ({
      %run_scoped3A_177 = tpu.sem_alloc : memref<!tpu.dma_semaphore, #tpu.memory_space<semaphore_mem>>
      %dma_start3A_178 = arith.constant 0 : i32
      %dma_start3A_179 = arith.constant 0 : i32
      %dma_start3A_180 = tpu.memref_slice %arg3[%arg0, %dma_start3A_178, %dma_start3A_179] : memref<2x10240x16xf32, #tpu.memory_space<hbm>> -> memref<1x10240x16xf32, #tpu.memory_space<hbm>>
      %dma_start3A_181 = tpu.memref_squeeze %dma_start3A_180 : memref<1x10240x16xf32, #tpu.memory_space<hbm>> -> memref<10240x16xf32, #tpu.memory_space<hbm>>
      %dma_start3A_182 = arith.constant 0 : i32
      %dma_start3A_183 = tpu.memref_slice %dma_start3A_181[%add3A_68, %dma_start3A_182] : memref<10240x16xf32, #tpu.memory_space<hbm>> -> memref<128x16xf32, #tpu.memory_space<hbm>>
      %dma_start3A_184 = arith.constant 0 : i32
      %dma_start3A_185 = arith.constant 0 : i32
      %dma_start3A_186 = tpu.memref_slice %arg3[%arg0, %dma_start3A_184, %dma_start3A_185] : memref<2x10240x16xf32, #tpu.memory_space<hbm>> -> memref<1x10240x16xf32, #tpu.memory_space<hbm>>
      %dma_start3A_187 = tpu.memref_squeeze %dma_start3A_186 : memref<1x10240x16xf32, #tpu.memory_space<hbm>> -> memref<10240x16xf32, #tpu.memory_space<hbm>>
      %dma_start3A_188 = arith.constant 0 : i32
      %dma_start3A_189 = tpu.memref_slice %dma_start3A_187[%add3A_68, %dma_start3A_188] : memref<10240x16xf32, #tpu.memory_space<hbm>> -> memref<128x16xf32, #tpu.memory_space<hbm>>
      tpu.enqueue_dma source(%dma_start3A_189 : memref<128x16xf32, #tpu.memory_space<hbm>>) target(%arg15 : memref<128x16xf32, #tpu.memory_space<vmem>>) target_semaphore(%run_scoped3A_177 : memref<!tpu.dma_semaphore, #tpu.memory_space<semaphore_mem>>)
      %dma_wait3A_190 = arith.constant 0 : i32
      %dma_wait3A_191 = arith.constant 0 : i32
      %dma_wait3A_192 = tpu.memref_slice %arg3[%arg0, %dma_wait3A_190, %dma_wait3A_191] : memref<2x10240x16xf32, #tpu.memory_space<hbm>> -> memref<1x10240x16xf32, #tpu.memory_space<hbm>>
      %dma_wait3A_193 = tpu.memref_squeeze %dma_wait3A_192 : memref<1x10240x16xf32, #tpu.memory_space<hbm>> -> memref<10240x16xf32, #tpu.memory_space<hbm>>
      %dma_wait3A_194 = arith.constant 0 : i32
      %dma_wait3A_195 = tpu.memref_slice %dma_wait3A_193[%add3A_68, %dma_wait3A_194] : memref<10240x16xf32, #tpu.memory_space<hbm>> -> memref<128x16xf32, #tpu.memory_space<hbm>>
      %dma_wait3A_196 = arith.constant 0 : i32
      %dma_wait3A_197 = arith.constant 0 : i32
      %dma_wait3A_198 = tpu.memref_slice %arg3[%arg0, %dma_wait3A_196, %dma_wait3A_197] : memref<2x10240x16xf32, #tpu.memory_space<hbm>> -> memref<1x10240x16xf32, #tpu.memory_space<hbm>>
      %dma_wait3A_199 = tpu.memref_squeeze %dma_wait3A_198 : memref<1x10240x16xf32, #tpu.memory_space<hbm>> -> memref<10240x16xf32, #tpu.memory_space<hbm>>
      %dma_wait3A_200 = arith.constant 0 : i32
      %dma_wait3A_201 = tpu.memref_slice %dma_wait3A_199[%add3A_68, %dma_wait3A_200] : memref<10240x16xf32, #tpu.memory_space<hbm>> -> memref<128x16xf32, #tpu.memory_space<hbm>>
      tpu.wait_dma2 semaphore(%run_scoped3A_177 : memref<!tpu.dma_semaphore, #tpu.memory_space<semaphore_mem>>) src(%dma_wait3A_201 : memref<128x16xf32, #tpu.memory_space<hbm>>) dst(%arg15 : memref<128x16xf32, #tpu.memory_space<vmem>>)
      tpu.yield
    }) : () -> ()
    %scan3A_69 = arith.constant 0 : i32
    %scan3A_70 = arith.constant 0 : i32
    %scan3A_71 = arith.constant 128 : i32
    %scan3A_72 = arith.addi %scan3A_70, %scan3A_71 : i32
    %scan3A_73 = arith.constant 1 : i32
    scf.for %scan3A_177 = %scan3A_70 to %scan3A_72 step %scan3A_73  : i32 {
      %get3A = arith.index_cast %scan3A_177 : i32 to index
      %get3A_178 = arith.constant 0 : index
      %get3A_179 = tpu.vector_load %arg13[%get3A, %get3A_178] {strides = array<i32>} : memref<128x16xf32, #tpu.memory_space<vmem>>, vector<1x16xf32>,
      %get3A_180 = vector.shape_cast %get3A_179 : vector<1x16xf32> to vector<16xf32>
      %get3A_181 = arith.index_cast %scan3A_177 : i32 to index
      %get3A_182 = arith.constant 0 : index
      %get3A_183 = tpu.vector_load %arg15[%get3A_181, %get3A_182] {strides = array<i32>} : memref<128x16xf32, #tpu.memory_space<vmem>>, vector<1x16xf32>,
      %get3A_184 = vector.shape_cast %get3A_183 : vector<1x16xf32> to vector<16xf32>
      %max3A = arith.constant 0.000000e+00 : f32
      %max3A_185 = vector.broadcast %max3A : f32 to vector<16xf32>
      %max3A_186 = arith.maximumf %get3A_180, %max3A_185 : vector<16xf32>
      %mul3A_187 = arith.constant 1.000000e-01 : f32
      %mul3A_188 = vector.broadcast %mul3A_187 : f32 to vector<16xf32>
      %mul3A_189 = arith.mulf %mul3A_188, %get3A_184 : vector<16xf32>
      %add3A_190 = arith.addf %max3A_186, %mul3A_189 : vector<16xf32>
      %swap3A = arith.index_cast %scan3A_177 : i32 to index
      %swap3A_191 = arith.constant 0 : index
      %swap3A_192 = tpu.vector_load %arg13[%swap3A, %swap3A_191] {strides = array<i32>} : memref<128x16xf32, #tpu.memory_space<vmem>>, vector<1x16xf32>,
      %swap3A_193 = vector.shape_cast %swap3A_192 : vector<1x16xf32> to vector<16xf32>
      %swap3A_194 = vector.shape_cast %add3A_190 : vector<16xf32> to vector<1x16xf32>
      tpu.vector_store %arg13[%swap3A, %swap3A_191], %swap3A_194 {strides = array<i32>} : memref<128x16xf32, #tpu.memory_space<vmem>>, vector<1x16xf32>,
    }
    %scan3A_74 = arith.constant 128 : i32
    "tpu.region"() ({
      %run_scoped3A_177 = tpu.sem_alloc : memref<!tpu.dma_semaphore, #tpu.memory_space<semaphore_mem>>
      %dma_start3A_178 = arith.constant 0 : i32
      %dma_start3A_179 = tpu.memref_slice %arg8[%add3A_68, %dma_start3A_178] : memref<10240x16xf32, #tpu.memory_space<vmem_shared>> -> memref<128x16xf32, #tpu.memory_space<vmem_shared>>
      %dma_start3A_180 = arith.constant 0 : i32
      %dma_start3A_181 = tpu.memref_slice %arg8[%add3A_68, %dma_start3A_180] : memref<10240x16xf32, #tpu.memory_space<vmem_shared>> -> memref<128x16xf32, #tpu.memory_space<vmem_shared>>
      tpu.enqueue_dma source(%arg13 : memref<128x16xf32, #tpu.memory_space<vmem>>) target(%dma_start3A_181 : memref<128x16xf32, #tpu.memory_space<vmem_shared>>) target_semaphore(%run_scoped3A_177 : memref<!tpu.dma_semaphore, #tpu.memory_space<semaphore_mem>>)
      %dma_wait3A_182 = arith.constant 0 : i32
      %dma_wait3A_183 = tpu.memref_slice %arg8[%add3A_68, %dma_wait3A_182] : memref<10240x16xf32, #tpu.memory_space<vmem_shared>> -> memref<128x16xf32, #tpu.memory_space<vmem_shared>>
      %dma_wait3A_184 = arith.constant 0 : i32
      %dma_wait3A_185 = tpu.memref_slice %arg8[%add3A_68, %dma_wait3A_184] : memref<10240x16xf32, #tpu.memory_space<vmem_shared>> -> memref<128x16xf32, #tpu.memory_space<vmem_shared>>
      tpu.wait_dma2 semaphore(%run_scoped3A_177 : memref<!tpu.dma_semaphore, #tpu.memory_space<semaphore_mem>>) src(%arg13 : memref<128x16xf32, #tpu.memory_space<vmem>>) dst(%dma_wait3A_185 : memref<128x16xf32, #tpu.memory_space<vmem_shared>>)
      tpu.yield
    }) : () -> ()
    %add3A_75 = arith.constant 384 : i32
    %add3A_76 = arith.addi %mul3A_0, %add3A_75 : i32
    "tpu.region"() ({
      %run_scoped3A_177 = tpu.sem_alloc : memref<!tpu.dma_semaphore, #tpu.memory_space<semaphore_mem>>
      %dma_start3A_178 = arith.constant 0 : i32
      %dma_start3A_179 = tpu.memref_slice %arg8[%add3A_76, %dma_start3A_178] : memref<10240x16xf32, #tpu.memory_space<vmem_shared>> -> memref<128x16xf32, #tpu.memory_space<vmem_shared>>
      %dma_start3A_180 = arith.constant 0 : i32
      %dma_start3A_181 = tpu.memref_slice %arg8[%add3A_76, %dma_start3A_180] : memref<10240x16xf32, #tpu.memory_space<vmem_shared>> -> memref<128x16xf32, #tpu.memory_space<vmem_shared>>
      tpu.enqueue_dma source(%dma_start3A_181 : memref<128x16xf32, #tpu.memory_space<vmem_shared>>) target(%arg13 : memref<128x16xf32, #tpu.memory_space<vmem>>) target_semaphore(%run_scoped3A_177 : memref<!tpu.dma_semaphore, #tpu.memory_space<semaphore_mem>>)
      %dma_wait3A_182 = arith.constant 0 : i32
      %dma_wait3A_183 = tpu.memref_slice %arg8[%add3A_76, %dma_wait3A_182] : memref<10240x16xf32, #tpu.memory_space<vmem_shared>> -> memref<128x16xf32, #tpu.memory_space<vmem_shared>>
      %dma_wait3A_184 = arith.constant 0 : i32
      %dma_wait3A_185 = tpu.memref_slice %arg8[%add3A_76, %dma_wait3A_184] : memref<10240x16xf32, #tpu.memory_space<vmem_shared>> -> memref<128x16xf32, #tpu.memory_space<vmem_shared>>
      tpu.wait_dma2 semaphore(%run_scoped3A_177 : memref<!tpu.dma_semaphore, #tpu.memory_space<semaphore_mem>>) src(%dma_wait3A_185 : memref<128x16xf32, #tpu.memory_space<vmem_shared>>) dst(%arg13 : memref<128x16xf32, #tpu.memory_space<vmem>>)
      tpu.yield
    }) : () -> ()
    "tpu.region"() ({
      %run_scoped3A_177 = tpu.sem_alloc : memref<!tpu.dma_semaphore, #tpu.memory_space<semaphore_mem>>
      %dma_start3A_178 = arith.constant 0 : i32
      %dma_start3A_179 = arith.constant 0 : i32
      %dma_start3A_180 = tpu.memref_slice %arg3[%arg0, %dma_start3A_178, %dma_start3A_179] : memref<2x10240x16xf32, #tpu.memory_space<hbm>> -> memref<1x10240x16xf32, #tpu.memory_space<hbm>>
      %dma_start3A_181 = tpu.memref_squeeze %dma_start3A_180 : memref<1x10240x16xf32, #tpu.memory_space<hbm>> -> memref<10240x16xf32, #tpu.memory_space<hbm>>
      %dma_start3A_182 = arith.constant 0 : i32
      %dma_start3A_183 = tpu.memref_slice %dma_start3A_181[%add3A_76, %dma_start3A_182] : memref<10240x16xf32, #tpu.memory_space<hbm>> -> memref<128x16xf32, #tpu.memory_space<hbm>>
      %dma_start3A_184 = arith.constant 0 : i32
      %dma_start3A_185 = arith.constant 0 : i32
      %dma_start3A_186 = tpu.memref_slice %arg3[%arg0, %dma_start3A_184, %dma_start3A_185] : memref<2x10240x16xf32, #tpu.memory_space<hbm>> -> memref<1x10240x16xf32, #tpu.memory_space<hbm>>
      %dma_start3A_187 = tpu.memref_squeeze %dma_start3A_186 : memref<1x10240x16xf32, #tpu.memory_space<hbm>> -> memref<10240x16xf32, #tpu.memory_space<hbm>>
      %dma_start3A_188 = arith.constant 0 : i32
      %dma_start3A_189 = tpu.memref_slice %dma_start3A_187[%add3A_76, %dma_start3A_188] : memref<10240x16xf32, #tpu.memory_space<hbm>> -> memref<128x16xf32, #tpu.memory_space<hbm>>
      tpu.enqueue_dma source(%dma_start3A_189 : memref<128x16xf32, #tpu.memory_space<hbm>>) target(%arg15 : memref<128x16xf32, #tpu.memory_space<vmem>>) target_semaphore(%run_scoped3A_177 : memref<!tpu.dma_semaphore, #tpu.memory_space<semaphore_mem>>)
      %dma_wait3A_190 = arith.constant 0 : i32
      %dma_wait3A_191 = arith.constant 0 : i32
      %dma_wait3A_192 = tpu.memref_slice %arg3[%arg0, %dma_wait3A_190, %dma_wait3A_191] : memref<2x10240x16xf32, #tpu.memory_space<hbm>> -> memref<1x10240x16xf32, #tpu.memory_space<hbm>>
      %dma_wait3A_193 = tpu.memref_squeeze %dma_wait3A_192 : memref<1x10240x16xf32, #tpu.memory_space<hbm>> -> memref<10240x16xf32, #tpu.memory_space<hbm>>
      %dma_wait3A_194 = arith.constant 0 : i32
      %dma_wait3A_195 = tpu.memref_slice %dma_wait3A_193[%add3A_76, %dma_wait3A_194] : memref<10240x16xf32, #tpu.memory_space<hbm>> -> memref<128x16xf32, #tpu.memory_space<hbm>>
      %dma_wait3A_196 = arith.constant 0 : i32
      %dma_wait3A_197 = arith.constant 0 : i32
      %dma_wait3A_198 = tpu.memref_slice %arg3[%arg0, %dma_wait3A_196, %dma_wait3A_197] : memref<2x10240x16xf32, #tpu.memory_space<hbm>> -> memref<1x10240x16xf32, #tpu.memory_space<hbm>>
      %dma_wait3A_199 = tpu.memref_squeeze %dma_wait3A_198 : memref<1x10240x16xf32, #tpu.memory_space<hbm>> -> memref<10240x16xf32, #tpu.memory_space<hbm>>
      %dma_wait3A_200 = arith.constant 0 : i32
      %dma_wait3A_201 = tpu.memref_slice %dma_wait3A_199[%add3A_76, %dma_wait3A_200] : memref<10240x16xf32, #tpu.memory_space<hbm>> -> memref<128x16xf32, #tpu.memory_space<hbm>>
      tpu.wait_dma2 semaphore(%run_scoped3A_177 : memref<!tpu.dma_semaphore, #tpu.memory_space<semaphore_mem>>) src(%dma_wait3A_201 : memref<128x16xf32, #tpu.memory_space<hbm>>) dst(%arg15 : memref<128x16xf32, #tpu.memory_space<vmem>>)
      tpu.yield
    }) : () -> ()
    %scan3A_77 = arith.constant 0 : i32
    %scan3A_78 = arith.constant 0 : i32
    %scan3A_79 = arith.constant 128 : i32
    %scan3A_80 = arith.addi %scan3A_78, %scan3A_79 : i32
    %scan3A_81 = arith.constant 1 : i32
    scf.for %scan3A_177 = %scan3A_78 to %scan3A_80 step %scan3A_81  : i32 {
      %get3A = arith.index_cast %scan3A_177 : i32 to index
      %get3A_178 = arith.constant 0 : index
      %get3A_179 = tpu.vector_load %arg13[%get3A, %get3A_178] {strides = array<i32>} : memref<128x16xf32, #tpu.memory_space<vmem>>, vector<1x16xf32>,
      %get3A_180 = vector.shape_cast %get3A_179 : vector<1x16xf32> to vector<16xf32>
      %get3A_181 = arith.index_cast %scan3A_177 : i32 to index
      %get3A_182 = arith.constant 0 : index
      %get3A_183 = tpu.vector_load %arg15[%get3A_181, %get3A_182] {strides = array<i32>} : memref<128x16xf32, #tpu.memory_space<vmem>>, vector<1x16xf32>,
      %get3A_184 = vector.shape_cast %get3A_183 : vector<1x16xf32> to vector<16xf32>
      %max3A = arith.constant 0.000000e+00 : f32
      %max3A_185 = vector.broadcast %max3A : f32 to vector<16xf32>
      %max3A_186 = arith.maximumf %get3A_180, %max3A_185 : vector<16xf32>
      %mul3A_187 = arith.constant 1.000000e-01 : f32
      %mul3A_188 = vector.broadcast %mul3A_187 : f32 to vector<16xf32>
      %mul3A_189 = arith.mulf %mul3A_188, %get3A_184 : vector<16xf32>
      %add3A_190 = arith.addf %max3A_186, %mul3A_189 : vector<16xf32>
      %swap3A = arith.index_cast %scan3A_177 : i32 to index
      %swap3A_191 = arith.constant 0 : index
      %swap3A_192 = tpu.vector_load %arg13[%swap3A, %swap3A_191] {strides = array<i32>} : memref<128x16xf32, #tpu.memory_space<vmem>>, vector<1x16xf32>,
      %swap3A_193 = vector.shape_cast %swap3A_192 : vector<1x16xf32> to vector<16xf32>
      %swap3A_194 = vector.shape_cast %add3A_190 : vector<16xf32> to vector<1x16xf32>
      tpu.vector_store %arg13[%swap3A, %swap3A_191], %swap3A_194 {strides = array<i32>} : memref<128x16xf32, #tpu.memory_space<vmem>>, vector<1x16xf32>,
    }
    %scan3A_82 = arith.constant 128 : i32
    "tpu.region"() ({
      %run_scoped3A_177 = tpu.sem_alloc : memref<!tpu.dma_semaphore, #tpu.memory_space<semaphore_mem>>
      %dma_start3A_178 = arith.constant 0 : i32
      %dma_start3A_179 = tpu.memref_slice %arg8[%add3A_76, %dma_start3A_178] : memref<10240x16xf32, #tpu.memory_space<vmem_shared>> -> memref<128x16xf32, #tpu.memory_space<vmem_shared>>
      %dma_start3A_180 = arith.constant 0 : i32
      %dma_start3A_181 = tpu.memref_slice %arg8[%add3A_76, %dma_start3A_180] : memref<10240x16xf32, #tpu.memory_space<vmem_shared>> -> memref<128x16xf32, #tpu.memory_space<vmem_shared>>
      tpu.enqueue_dma source(%arg13 : memref<128x16xf32, #tpu.memory_space<vmem>>) target(%dma_start3A_181 : memref<128x16xf32, #tpu.memory_space<vmem_shared>>) target_semaphore(%run_scoped3A_177 : memref<!tpu.dma_semaphore, #tpu.memory_space<semaphore_mem>>)
      %dma_wait3A_182 = arith.constant 0 : i32
      %dma_wait3A_183 = tpu.memref_slice %arg8[%add3A_76, %dma_wait3A_182] : memref<10240x16xf32, #tpu.memory_space<vmem_shared>> -> memref<128x16xf32, #tpu.memory_space<vmem_shared>>
      %dma_wait3A_184 = arith.constant 0 : i32
      %dma_wait3A_185 = tpu.memref_slice %arg8[%add3A_76, %dma_wait3A_184] : memref<10240x16xf32, #tpu.memory_space<vmem_shared>> -> memref<128x16xf32, #tpu.memory_space<vmem_shared>>
      tpu.wait_dma2 semaphore(%run_scoped3A_177 : memref<!tpu.dma_semaphore, #tpu.memory_space<semaphore_mem>>) src(%arg13 : memref<128x16xf32, #tpu.memory_space<vmem>>) dst(%dma_wait3A_185 : memref<128x16xf32, #tpu.memory_space<vmem_shared>>)
      tpu.yield
    }) : () -> ()
    %add3A_83 = arith.constant 512 : i32
    %add3A_84 = arith.addi %mul3A_0, %add3A_83 : i32
    "tpu.region"() ({
      %run_scoped3A_177 = tpu.sem_alloc : memref<!tpu.dma_semaphore, #tpu.memory_space<semaphore_mem>>
      %dma_start3A_178 = arith.constant 0 : i32
      %dma_start3A_179 = tpu.memref_slice %arg8[%add3A_84, %dma_start3A_178] : memref<10240x16xf32, #tpu.memory_space<vmem_shared>> -> memref<128x16xf32, #tpu.memory_space<vmem_shared>>
      %dma_start3A_180 = arith.constant 0 : i32
      %dma_start3A_181 = tpu.memref_slice %arg8[%add3A_84, %dma_start3A_180] : memref<10240x16xf32, #tpu.memory_space<vmem_shared>> -> memref<128x16xf32, #tpu.memory_space<vmem_shared>>
      tpu.enqueue_dma source(%dma_start3A_181 : memref<128x16xf32, #tpu.memory_space<vmem_shared>>) target(%arg13 : memref<128x16xf32, #tpu.memory_space<vmem>>) target_semaphore(%run_scoped3A_177 : memref<!tpu.dma_semaphore, #tpu.memory_space<semaphore_mem>>)
      %dma_wait3A_182 = arith.constant 0 : i32
      %dma_wait3A_183 = tpu.memref_slice %arg8[%add3A_84, %dma_wait3A_182] : memref<10240x16xf32, #tpu.memory_space<vmem_shared>> -> memref<128x16xf32, #tpu.memory_space<vmem_shared>>
      %dma_wait3A_184 = arith.constant 0 : i32
      %dma_wait3A_185 = tpu.memref_slice %arg8[%add3A_84, %dma_wait3A_184] : memref<10240x16xf32, #tpu.memory_space<vmem_shared>> -> memref<128x16xf32, #tpu.memory_space<vmem_shared>>
      tpu.wait_dma2 semaphore(%run_scoped3A_177 : memref<!tpu.dma_semaphore, #tpu.memory_space<semaphore_mem>>) src(%dma_wait3A_185 : memref<128x16xf32, #tpu.memory_space<vmem_shared>>) dst(%arg13 : memref<128x16xf32, #tpu.memory_space<vmem>>)
      tpu.yield
    }) : () -> ()
    "tpu.region"() ({
      %run_scoped3A_177 = tpu.sem_alloc : memref<!tpu.dma_semaphore, #tpu.memory_space<semaphore_mem>>
      %dma_start3A_178 = arith.constant 0 : i32
      %dma_start3A_179 = arith.constant 0 : i32
      %dma_start3A_180 = tpu.memref_slice %arg3[%arg0, %dma_start3A_178, %dma_start3A_179] : memref<2x10240x16xf32, #tpu.memory_space<hbm>> -> memref<1x10240x16xf32, #tpu.memory_space<hbm>>
      %dma_start3A_181 = tpu.memref_squeeze %dma_start3A_180 : memref<1x10240x16xf32, #tpu.memory_space<hbm>> -> memref<10240x16xf32, #tpu.memory_space<hbm>>
      %dma_start3A_182 = arith.constant 0 : i32
      %dma_start3A_183 = tpu.memref_slice %dma_start3A_181[%add3A_84, %dma_start3A_182] : memref<10240x16xf32, #tpu.memory_space<hbm>> -> memref<128x16xf32, #tpu.memory_space<hbm>>
      %dma_start3A_184 = arith.constant 0 : i32
      %dma_start3A_185 = arith.constant 0 : i32
      %dma_start3A_186 = tpu.memref_slice %arg3[%arg0, %dma_start3A_184, %dma_start3A_185] : memref<2x10240x16xf32, #tpu.memory_space<hbm>> -> memref<1x10240x16xf32, #tpu.memory_space<hbm>>
      %dma_start3A_187 = tpu.memref_squeeze %dma_start3A_186 : memref<1x10240x16xf32, #tpu.memory_space<hbm>> -> memref<10240x16xf32, #tpu.memory_space<hbm>>
      %dma_start3A_188 = arith.constant 0 : i32
      %dma_start3A_189 = tpu.memref_slice %dma_start3A_187[%add3A_84, %dma_start3A_188] : memref<10240x16xf32, #tpu.memory_space<hbm>> -> memref<128x16xf32, #tpu.memory_space<hbm>>
      tpu.enqueue_dma source(%dma_start3A_189 : memref<128x16xf32, #tpu.memory_space<hbm>>) target(%arg15 : memref<128x16xf32, #tpu.memory_space<vmem>>) target_semaphore(%run_scoped3A_177 : memref<!tpu.dma_semaphore, #tpu.memory_space<semaphore_mem>>)
      %dma_wait3A_190 = arith.constant 0 : i32
      %dma_wait3A_191 = arith.constant 0 : i32
      %dma_wait3A_192 = tpu.memref_slice %arg3[%arg0, %dma_wait3A_190, %dma_wait3A_191] : memref<2x10240x16xf32, #tpu.memory_space<hbm>> -> memref<1x10240x16xf32, #tpu.memory_space<hbm>>
      %dma_wait3A_193 = tpu.memref_squeeze %dma_wait3A_192 : memref<1x10240x16xf32, #tpu.memory_space<hbm>> -> memref<10240x16xf32, #tpu.memory_space<hbm>>
      %dma_wait3A_194 = arith.constant 0 : i32
      %dma_wait3A_195 = tpu.memref_slice %dma_wait3A_193[%add3A_84, %dma_wait3A_194] : memref<10240x16xf32, #tpu.memory_space<hbm>> -> memref<128x16xf32, #tpu.memory_space<hbm>>
      %dma_wait3A_196 = arith.constant 0 : i32
      %dma_wait3A_197 = arith.constant 0 : i32
      %dma_wait3A_198 = tpu.memref_slice %arg3[%arg0, %dma_wait3A_196, %dma_wait3A_197] : memref<2x10240x16xf32, #tpu.memory_space<hbm>> -> memref<1x10240x16xf32, #tpu.memory_space<hbm>>
      %dma_wait3A_199 = tpu.memref_squeeze %dma_wait3A_198 : memref<1x10240x16xf32, #tpu.memory_space<hbm>> -> memref<10240x16xf32, #tpu.memory_space<hbm>>
      %dma_wait3A_200 = arith.constant 0 : i32
      %dma_wait3A_201 = tpu.memref_slice %dma_wait3A_199[%add3A_84, %dma_wait3A_200] : memref<10240x16xf32, #tpu.memory_space<hbm>> -> memref<128x16xf32, #tpu.memory_space<hbm>>
      tpu.wait_dma2 semaphore(%run_scoped3A_177 : memref<!tpu.dma_semaphore, #tpu.memory_space<semaphore_mem>>) src(%dma_wait3A_201 : memref<128x16xf32, #tpu.memory_space<hbm>>) dst(%arg15 : memref<128x16xf32, #tpu.memory_space<vmem>>)
      tpu.yield
    }) : () -> ()
    %scan3A_85 = arith.constant 0 : i32
    %scan3A_86 = arith.constant 0 : i32
    %scan3A_87 = arith.constant 128 : i32
    %scan3A_88 = arith.addi %scan3A_86, %scan3A_87 : i32
    %scan3A_89 = arith.constant 1 : i32
    scf.for %scan3A_177 = %scan3A_86 to %scan3A_88 step %scan3A_89  : i32 {
      %get3A = arith.index_cast %scan3A_177 : i32 to index
      %get3A_178 = arith.constant 0 : index
      %get3A_179 = tpu.vector_load %arg13[%get3A, %get3A_178] {strides = array<i32>} : memref<128x16xf32, #tpu.memory_space<vmem>>, vector<1x16xf32>,
      %get3A_180 = vector.shape_cast %get3A_179 : vector<1x16xf32> to vector<16xf32>
      %get3A_181 = arith.index_cast %scan3A_177 : i32 to index
      %get3A_182 = arith.constant 0 : index
      %get3A_183 = tpu.vector_load %arg15[%get3A_181, %get3A_182] {strides = array<i32>} : memref<128x16xf32, #tpu.memory_space<vmem>>, vector<1x16xf32>,
      %get3A_184 = vector.shape_cast %get3A_183 : vector<1x16xf32> to vector<16xf32>
      %max3A = arith.constant 0.000000e+00 : f32
      %max3A_185 = vector.broadcast %max3A : f32 to vector<16xf32>
      %max3A_186 = arith.maximumf %get3A_180, %max3A_185 : vector<16xf32>
      %mul3A_187 = arith.constant 1.000000e-01 : f32
      %mul3A_188 = vector.broadcast %mul3A_187 : f32 to vector<16xf32>
      %mul3A_189 = arith.mulf %mul3A_188, %get3A_184 : vector<16xf32>
      %add3A_190 = arith.addf %max3A_186, %mul3A_189 : vector<16xf32>
      %swap3A = arith.index_cast %scan3A_177 : i32 to index
      %swap3A_191 = arith.constant 0 : index
      %swap3A_192 = tpu.vector_load %arg13[%swap3A, %swap3A_191] {strides = array<i32>} : memref<128x16xf32, #tpu.memory_space<vmem>>, vector<1x16xf32>,
      %swap3A_193 = vector.shape_cast %swap3A_192 : vector<1x16xf32> to vector<16xf32>
      %swap3A_194 = vector.shape_cast %add3A_190 : vector<16xf32> to vector<1x16xf32>
      tpu.vector_store %arg13[%swap3A, %swap3A_191], %swap3A_194 {strides = array<i32>} : memref<128x16xf32, #tpu.memory_space<vmem>>, vector<1x16xf32>,
    }
    %scan3A_90 = arith.constant 128 : i32
    "tpu.region"() ({
      %run_scoped3A_177 = tpu.sem_alloc : memref<!tpu.dma_semaphore, #tpu.memory_space<semaphore_mem>>
      %dma_start3A_178 = arith.constant 0 : i32
      %dma_start3A_179 = tpu.memref_slice %arg8[%add3A_84, %dma_start3A_178] : memref<10240x16xf32, #tpu.memory_space<vmem_shared>> -> memref<128x16xf32, #tpu.memory_space<vmem_shared>>
      %dma_start3A_180 = arith.constant 0 : i32
      %dma_start3A_181 = tpu.memref_slice %arg8[%add3A_84, %dma_start3A_180] : memref<10240x16xf32, #tpu.memory_space<vmem_shared>> -> memref<128x16xf32, #tpu.memory_space<vmem_shared>>
      tpu.enqueue_dma source(%arg13 : memref<128x16xf32, #tpu.memory_space<vmem>>) target(%dma_start3A_181 : memref<128x16xf32, #tpu.memory_space<vmem_shared>>) target_semaphore(%run_scoped3A_177 : memref<!tpu.dma_semaphore, #tpu.memory_space<semaphore_mem>>)
      %dma_wait3A_182 = arith.constant 0 : i32
      %dma_wait3A_183 = tpu.memref_slice %arg8[%add3A_84, %dma_wait3A_182] : memref<10240x16xf32, #tpu.memory_space<vmem_shared>> -> memref<128x16xf32, #tpu.memory_space<vmem_shared>>
      %dma_wait3A_184 = arith.constant 0 : i32
      %dma_wait3A_185 = tpu.memref_slice %arg8[%add3A_84, %dma_wait3A_184] : memref<10240x16xf32, #tpu.memory_space<vmem_shared>> -> memref<128x16xf32, #tpu.memory_space<vmem_shared>>
      tpu.wait_dma2 semaphore(%run_scoped3A_177 : memref<!tpu.dma_semaphore, #tpu.memory_space<semaphore_mem>>) src(%arg13 : memref<128x16xf32, #tpu.memory_space<vmem>>) dst(%dma_wait3A_185 : memref<128x16xf32, #tpu.memory_space<vmem_shared>>)
      tpu.yield
    }) : () -> ()
    %barrier3A_91 = arith.constant 0 : index
    tpu.barrier barrier_id(%barrier3A_91)
    %dma_start3A_92 = arith.constant 0 : i32
    %dma_start3A_93 = arith.constant 0 : i32
    %dma_start3A_94 = tpu.memref_slice %arg11[%dma_start3A_92, %dma_start3A_93] : memref<79x128xi32, #tpu.memory_space<vmem>> -> memref<1x128xi32, #tpu.memory_space<vmem>>
    %dma_start3A_95 = tpu.memref_squeeze %dma_start3A_94 : memref<1x128xi32, #tpu.memory_space<vmem>> -> memref<128xi32, #tpu.memory_space<vmem>>
    %dma_start3A_96 = arith.constant 0 : i32
    %dma_start3A_97 = arith.constant 0 : i32
    %dma_start3A_98 = tpu.memref_slice %arg8[%dma_start3A_96, %dma_start3A_97] : memref<10240x16xf32, #tpu.memory_space<vmem_shared>> -> memref<10240x16xf32, #tpu.memory_space<vmem_shared>>
    tpu.enqueue_indirect_dma source(%dma_start3A_98 : memref<10240x16xf32, #tpu.memory_space<vmem_shared>>) target(%arg13 : memref<128x16xf32, #tpu.memory_space<vmem>>) offsets(%dma_start3A_95 : memref<128xi32, #tpu.memory_space<vmem>>) semaphore(%arg16 : memref<!tpu.dma_semaphore, #tpu.memory_space<semaphore_mem>>)
    %scan3A_99 = arith.constant 0 : i32
    %scan3A_100 = arith.constant 0 : i32
    %scan3A_101 = arith.constant 79 : i32
    %scan3A_102 = arith.addi %scan3A_100, %scan3A_101 : i32
    %scan3A_103 = arith.constant 1 : i32
    scf.for %scan3A_177 = %scan3A_100 to %scan3A_102 step %scan3A_103  : i32 {
      %rem3A = arith.constant 2 : i32
      %rem3A_178 = arith.remsi %scan3A_177, %rem3A : i32
      %eq3A_179 = arith.constant 0 : i32
      %eq3A_180 = arith.cmpi eq, %rem3A_178, %eq3A_179 : i32
      %convert_element_type3A_181 = arith.extui %eq3A_180 : i1 to i32
      %cond3A_182 = arith.constant 0 : i32
      %cond3A_183 = arith.cmpi ne, %convert_element_type3A_181, %cond3A_182 : i32
      scf.if %cond3A_183 {
        %dma_wait3A_194 = arith.constant 0 : i32
        %dma_wait3A_195 = tpu.memref_slice %arg11[%scan3A_177, %dma_wait3A_194] : memref<79x128xi32, #tpu.memory_space<vmem>> -> memref<1x128xi32, #tpu.memory_space<vmem>>
        %dma_wait3A_196 = tpu.memref_squeeze %dma_wait3A_195 : memref<1x128xi32, #tpu.memory_space<vmem>> -> memref<128xi32, #tpu.memory_space<vmem>>
        %dma_wait3A_197 = arith.constant 0 : i32
        %dma_wait3A_198 = arith.constant 0 : i32
        %dma_wait3A_199 = tpu.memref_slice %arg8[%dma_wait3A_197, %dma_wait3A_198] : memref<10240x16xf32, #tpu.memory_space<vmem_shared>> -> memref<10240x16xf32, #tpu.memory_space<vmem_shared>>
        tpu.wait_indirect_dma semaphore(%arg16 : memref<!tpu.dma_semaphore, #tpu.memory_space<semaphore_mem>>) src(%dma_wait3A_199 : memref<10240x16xf32, #tpu.memory_space<vmem_shared>>) dst(%arg13 : memref<128x16xf32, #tpu.memory_space<vmem>>)
        %dma_start3A_200 = arith.constant 0 : i32
        %dma_start3A_201 = tpu.memref_slice %arg12[%scan3A_177, %dma_start3A_200] : memref<79x128xi32, #tpu.memory_space<vmem>> -> memref<1x128xi32, #tpu.memory_space<vmem>>
        %dma_start3A_202 = tpu.memref_squeeze %dma_start3A_201 : memref<1x128xi32, #tpu.memory_space<vmem>> -> memref<128xi32, #tpu.memory_space<vmem>>
        %dma_start3A_203 = arith.constant 0 : i32
        %dma_start3A_204 = arith.constant 0 : i32
        %dma_start3A_205 = tpu.memref_slice %arg9[%dma_start3A_203, %dma_start3A_204] : memref<10240x16xf32, #tpu.memory_space<vmem_shared>> -> memref<10240x16xf32, #tpu.memory_space<vmem_shared>>
        tpu.enqueue_indirect_dma source(%arg13 : memref<128x16xf32, #tpu.memory_space<vmem>>) target(%dma_start3A_205 : memref<10240x16xf32, #tpu.memory_space<vmem_shared>>) offsets(%dma_start3A_202 : memref<128xi32, #tpu.memory_space<vmem>>) semaphore(%arg18 : memref<!tpu.dma_semaphore, #tpu.memory_space<semaphore_mem>>) {add = true}
      } else {
      }
      %not3A = arith.constant true
      %not3A_184 = arith.xori %eq3A_180, %not3A : i1
      %convert_element_type3A_185 = arith.extui %not3A_184 : i1 to i32
      %cond3A_186 = arith.constant 0 : i32
      %cond3A_187 = arith.cmpi ne, %convert_element_type3A_185, %cond3A_186 : i32
      scf.if %cond3A_187 {
        %dma_wait3A_194 = arith.constant 0 : i32
        %dma_wait3A_195 = tpu.memref_slice %arg11[%scan3A_177, %dma_wait3A_194] : memref<79x128xi32, #tpu.memory_space<vmem>> -> memref<1x128xi32, #tpu.memory_space<vmem>>
        %dma_wait3A_196 = tpu.memref_squeeze %dma_wait3A_195 : memref<1x128xi32, #tpu.memory_space<vmem>> -> memref<128xi32, #tpu.memory_space<vmem>>
        %dma_wait3A_197 = arith.constant 0 : i32
        %dma_wait3A_198 = arith.constant 0 : i32
        %dma_wait3A_199 = tpu.memref_slice %arg8[%dma_wait3A_197, %dma_wait3A_198] : memref<10240x16xf32, #tpu.memory_space<vmem_shared>> -> memref<10240x16xf32, #tpu.memory_space<vmem_shared>>
        tpu.wait_indirect_dma semaphore(%arg17 : memref<!tpu.dma_semaphore, #tpu.memory_space<semaphore_mem>>) src(%dma_wait3A_199 : memref<10240x16xf32, #tpu.memory_space<vmem_shared>>) dst(%arg14 : memref<128x16xf32, #tpu.memory_space<vmem>>)
        %dma_start3A_200 = arith.constant 0 : i32
        %dma_start3A_201 = tpu.memref_slice %arg12[%scan3A_177, %dma_start3A_200] : memref<79x128xi32, #tpu.memory_space<vmem>> -> memref<1x128xi32, #tpu.memory_space<vmem>>
        %dma_start3A_202 = tpu.memref_squeeze %dma_start3A_201 : memref<1x128xi32, #tpu.memory_space<vmem>> -> memref<128xi32, #tpu.memory_space<vmem>>
        %dma_start3A_203 = arith.constant 0 : i32
        %dma_start3A_204 = arith.constant 0 : i32
        %dma_start3A_205 = tpu.memref_slice %arg9[%dma_start3A_203, %dma_start3A_204] : memref<10240x16xf32, #tpu.memory_space<vmem_shared>> -> memref<10240x16xf32, #tpu.memory_space<vmem_shared>>
        tpu.enqueue_indirect_dma source(%arg14 : memref<128x16xf32, #tpu.memory_space<vmem>>) target(%dma_start3A_205 : memref<10240x16xf32, #tpu.memory_space<vmem_shared>>) offsets(%dma_start3A_202 : memref<128xi32, #tpu.memory_space<vmem>>) semaphore(%arg19 : memref<!tpu.dma_semaphore, #tpu.memory_space<semaphore_mem>>) {add = true}
      } else {
      }
      %add3A_188 = arith.constant 1 : i32
      %add3A_189 = arith.addi %scan3A_177, %add3A_188 : i32
      %lt3A = arith.constant 79 : i32
      %lt3A_190 = arith.cmpi slt, %add3A_189, %lt3A : i32
      %convert_element_type3A_191 = arith.extui %lt3A_190 : i1 to i32
      %cond3A_192 = arith.constant 0 : i32
      %cond3A_193 = arith.cmpi ne, %convert_element_type3A_191, %cond3A_192 : i32
      scf.if %cond3A_193 {
        %convert_element_type3A_194 = arith.extui %eq3A_180 : i1 to i32
        %cond3A_195 = arith.constant 0 : i32
        %cond3A_196 = arith.cmpi ne, %convert_element_type3A_194, %cond3A_195 : i32
        scf.if %cond3A_196 {
          %ge3A = arith.constant 1 : i32
          %ge3A_202 = arith.cmpi sge, %scan3A_177, %ge3A : i32
          %convert_element_type3A_203 = arith.extui %ge3A_202 : i1 to i32
          %cond3A_204 = arith.constant 0 : i32
          %cond3A_205 = arith.cmpi ne, %convert_element_type3A_203, %cond3A_204 : i32
          scf.if %cond3A_205 {
            %dma_wait3A_214 = arith.constant 0 : i32
            %dma_wait3A_215 = tpu.memref_slice %arg12[%scan3A_177, %dma_wait3A_214] : memref<79x128xi32, #tpu.memory_space<vmem>> -> memref<1x128xi32, #tpu.memory_space<vmem>>
            %dma_wait3A_216 = tpu.memref_squeeze %dma_wait3A_215 : memref<1x128xi32, #tpu.memory_space<vmem>> -> memref<128xi32, #tpu.memory_space<vmem>>
            %dma_wait3A_217 = arith.constant 0 : i32
            %dma_wait3A_218 = arith.constant 0 : i32
            %dma_wait3A_219 = tpu.memref_slice %arg9[%dma_wait3A_217, %dma_wait3A_218] : memref<10240x16xf32, #tpu.memory_space<vmem_shared>> -> memref<10240x16xf32, #tpu.memory_space<vmem_shared>>
            tpu.wait_indirect_dma semaphore(%arg19 : memref<!tpu.dma_semaphore, #tpu.memory_space<semaphore_mem>>) src(%arg14 : memref<128x16xf32, #tpu.memory_space<vmem>>) dst(%dma_wait3A_219 : memref<10240x16xf32, #tpu.memory_space<vmem_shared>>)
          } else {
          }
          %add3A_206 = arith.constant 1 : i32
          %add3A_207 = arith.addi %scan3A_177, %add3A_206 : i32
          %dma_start3A_208 = arith.constant 0 : i32
          %dma_start3A_209 = tpu.memref_slice %arg11[%add3A_207, %dma_start3A_208] : memref<79x128xi32, #tpu.memory_space<vmem>> -> memref<1x128xi32, #tpu.memory_space<vmem>>
          %dma_start3A_210 = tpu.memref_squeeze %dma_start3A_209 : memref<1x128xi32, #tpu.memory_space<vmem>> -> memref<128xi32, #tpu.memory_space<vmem>>
          %dma_start3A_211 = arith.constant 0 : i32
          %dma_start3A_212 = arith.constant 0 : i32
          %dma_start3A_213 = tpu.memref_slice %arg8[%dma_start3A_211, %dma_start3A_212] : memref<10240x16xf32, #tpu.memory_space<vmem_shared>> -> memref<10240x16xf32, #tpu.memory_space<vmem_shared>>
          tpu.enqueue_indirect_dma source(%dma_start3A_213 : memref<10240x16xf32, #tpu.memory_space<vmem_shared>>) target(%arg14 : memref<128x16xf32, #tpu.memory_space<vmem>>) offsets(%dma_start3A_210 : memref<128xi32, #tpu.memory_space<vmem>>) semaphore(%arg17 : memref<!tpu.dma_semaphore, #tpu.memory_space<semaphore_mem>>)
        } else {
        }
        %not3A_197 = arith.constant true
        %not3A_198 = arith.xori %eq3A_180, %not3A_197 : i1
        %convert_element_type3A_199 = arith.extui %not3A_198 : i1 to i32
        %cond3A_200 = arith.constant 0 : i32
        %cond3A_201 = arith.cmpi ne, %convert_element_type3A_199, %cond3A_200 : i32
        scf.if %cond3A_201 {
          %dma_wait3A_202 = arith.constant 0 : i32
          %dma_wait3A_203 = tpu.memref_slice %arg12[%scan3A_177, %dma_wait3A_202] : memref<79x128xi32, #tpu.memory_space<vmem>> -> memref<1x128xi32, #tpu.memory_space<vmem>>
          %dma_wait3A_204 = tpu.memref_squeeze %dma_wait3A_203 : memref<1x128xi32, #tpu.memory_space<vmem>> -> memref<128xi32, #tpu.memory_space<vmem>>
          %dma_wait3A_205 = arith.constant 0 : i32
          %dma_wait3A_206 = arith.constant 0 : i32
          %dma_wait3A_207 = tpu.memref_slice %arg9[%dma_wait3A_205, %dma_wait3A_206] : memref<10240x16xf32, #tpu.memory_space<vmem_shared>> -> memref<10240x16xf32, #tpu.memory_space<vmem_shared>>
          tpu.wait_indirect_dma semaphore(%arg18 : memref<!tpu.dma_semaphore, #tpu.memory_space<semaphore_mem>>) src(%arg13 : memref<128x16xf32, #tpu.memory_space<vmem>>) dst(%dma_wait3A_207 : memref<10240x16xf32, #tpu.memory_space<vmem_shared>>)
          %add3A_208 = arith.constant 1 : i32
          %add3A_209 = arith.addi %scan3A_177, %add3A_208 : i32
          %dma_start3A_210 = arith.constant 0 : i32
          %dma_start3A_211 = tpu.memref_slice %arg11[%add3A_209, %dma_start3A_210] : memref<79x128xi32, #tpu.memory_space<vmem>> -> memref<1x128xi32, #tpu.memory_space<vmem>>
          %dma_start3A_212 = tpu.memref_squeeze %dma_start3A_211 : memref<1x128xi32, #tpu.memory_space<vmem>> -> memref<128xi32, #tpu.memory_space<vmem>>
          %dma_start3A_213 = arith.constant 0 : i32
          %dma_start3A_214 = arith.constant 0 : i32
          %dma_start3A_215 = tpu.memref_slice %arg8[%dma_start3A_213, %dma_start3A_214] : memref<10240x16xf32, #tpu.memory_space<vmem_shared>> -> memref<10240x16xf32, #tpu.memory_space<vmem_shared>>
          tpu.enqueue_indirect_dma source(%dma_start3A_215 : memref<10240x16xf32, #tpu.memory_space<vmem_shared>>) target(%arg13 : memref<128x16xf32, #tpu.memory_space<vmem>>) offsets(%dma_start3A_212 : memref<128xi32, #tpu.memory_space<vmem>>) semaphore(%arg16 : memref<!tpu.dma_semaphore, #tpu.memory_space<semaphore_mem>>)
        } else {
        }
      } else {
      }
    }
    %scan3A_104 = arith.constant 79 : i32
    %dma_wait3A_105 = arith.constant 0 : i32
    %dma_wait3A_106 = arith.constant 0 : i32
    %dma_wait3A_107 = tpu.memref_slice %arg12[%dma_wait3A_105, %dma_wait3A_106] : memref<79x128xi32, #tpu.memory_space<vmem>> -> memref<1x128xi32, #tpu.memory_space<vmem>>
    %dma_wait3A_108 = tpu.memref_squeeze %dma_wait3A_107 : memref<1x128xi32, #tpu.memory_space<vmem>> -> memref<128xi32, #tpu.memory_space<vmem>>
    %dma_wait3A_109 = arith.constant 0 : i32
    %dma_wait3A_110 = arith.constant 0 : i32
    %dma_wait3A_111 = tpu.memref_slice %arg9[%dma_wait3A_109, %dma_wait3A_110] : memref<10240x16xf32, #tpu.memory_space<vmem_shared>> -> memref<10240x16xf32, #tpu.memory_space<vmem_shared>>
    tpu.wait_indirect_dma semaphore(%arg18 : memref<!tpu.dma_semaphore, #tpu.memory_space<semaphore_mem>>) src(%arg13 : memref<128x16xf32, #tpu.memory_space<vmem>>) dst(%dma_wait3A_111 : memref<10240x16xf32, #tpu.memory_space<vmem_shared>>)
    %dma_wait3A_112 = arith.constant 0 : i32
    %dma_wait3A_113 = arith.constant 0 : i32
    %dma_wait3A_114 = tpu.memref_slice %arg12[%dma_wait3A_112, %dma_wait3A_113] : memref<79x128xi32, #tpu.memory_space<vmem>> -> memref<1x128xi32, #tpu.memory_space<vmem>>
    %dma_wait3A_115 = tpu.memref_squeeze %dma_wait3A_114 : memref<1x128xi32, #tpu.memory_space<vmem>> -> memref<128xi32, #tpu.memory_space<vmem>>
    %dma_wait3A_116 = arith.constant 0 : i32
    %dma_wait3A_117 = arith.constant 0 : i32
    %dma_wait3A_118 = tpu.memref_slice %arg9[%dma_wait3A_116, %dma_wait3A_117] : memref<10240x16xf32, #tpu.memory_space<vmem_shared>> -> memref<10240x16xf32, #tpu.memory_space<vmem_shared>>
    tpu.wait_indirect_dma semaphore(%arg19 : memref<!tpu.dma_semaphore, #tpu.memory_space<semaphore_mem>>) src(%arg14 : memref<128x16xf32, #tpu.memory_space<vmem>>) dst(%dma_wait3A_118 : memref<10240x16xf32, #tpu.memory_space<vmem_shared>>)
    %barrier3A_119 = arith.constant 0 : index
    tpu.barrier barrier_id(%barrier3A_119)
    %add3A_120 = arith.constant 0 : i32
    %add3A_121 = arith.addi %mul3A_0, %add3A_120 : i32
    "tpu.region"() ({
      %run_scoped3A_177 = tpu.sem_alloc : memref<!tpu.dma_semaphore, #tpu.memory_space<semaphore_mem>>
      %dma_start3A_178 = arith.constant 0 : i32
      %dma_start3A_179 = tpu.memref_slice %arg9[%add3A_121, %dma_start3A_178] : memref<10240x16xf32, #tpu.memory_space<vmem_shared>> -> memref<128x16xf32, #tpu.memory_space<vmem_shared>>
      %dma_start3A_180 = arith.constant 0 : i32
      %dma_start3A_181 = tpu.memref_slice %arg9[%add3A_121, %dma_start3A_180] : memref<10240x16xf32, #tpu.memory_space<vmem_shared>> -> memref<128x16xf32, #tpu.memory_space<vmem_shared>>
      tpu.enqueue_dma source(%dma_start3A_181 : memref<128x16xf32, #tpu.memory_space<vmem_shared>>) target(%arg13 : memref<128x16xf32, #tpu.memory_space<vmem>>) target_semaphore(%run_scoped3A_177 : memref<!tpu.dma_semaphore, #tpu.memory_space<semaphore_mem>>)
      %dma_wait3A_182 = arith.constant 0 : i32
      %dma_wait3A_183 = tpu.memref_slice %arg9[%add3A_121, %dma_wait3A_182] : memref<10240x16xf32, #tpu.memory_space<vmem_shared>> -> memref<128x16xf32, #tpu.memory_space<vmem_shared>>
      %dma_wait3A_184 = arith.constant 0 : i32
      %dma_wait3A_185 = tpu.memref_slice %arg9[%add3A_121, %dma_wait3A_184] : memref<10240x16xf32, #tpu.memory_space<vmem_shared>> -> memref<128x16xf32, #tpu.memory_space<vmem_shared>>
      tpu.wait_dma2 semaphore(%run_scoped3A_177 : memref<!tpu.dma_semaphore, #tpu.memory_space<semaphore_mem>>) src(%dma_wait3A_185 : memref<128x16xf32, #tpu.memory_space<vmem_shared>>) dst(%arg13 : memref<128x16xf32, #tpu.memory_space<vmem>>)
      tpu.yield
    }) : () -> ()
    %eq3A = arith.constant 0 : i32
    %eq3A_122 = arith.cmpi eq, %arg0, %eq3A : i32
    %convert_element_type3A = arith.extui %eq3A_122 : i1 to i32
    %cond3A = arith.constant 0 : i32
    %cond3A_123 = arith.cmpi ne, %convert_element_type3A, %cond3A : i32
    scf.if %cond3A_123 {
      "tpu.region"() ({
        %run_scoped3A_177 = tpu.sem_alloc : memref<!tpu.dma_semaphore, #tpu.memory_space<semaphore_mem>>
        %dma_start3A_178 = arith.constant 0 : i32
        %dma_start3A_179 = tpu.memref_slice %arg6[%add3A_121, %dma_start3A_178] : memref<10240x16xf32, #tpu.memory_space<hbm>> -> memref<128x16xf32, #tpu.memory_space<hbm>>
        %dma_start3A_180 = arith.constant 0 : i32
        %dma_start3A_181 = tpu.memref_slice %arg6[%add3A_121, %dma_start3A_180] : memref<10240x16xf32, #tpu.memory_space<hbm>> -> memref<128x16xf32, #tpu.memory_space<hbm>>
        tpu.enqueue_dma source(%arg13 : memref<128x16xf32, #tpu.memory_space<vmem>>) target(%dma_start3A_181 : memref<128x16xf32, #tpu.memory_space<hbm>>) target_semaphore(%run_scoped3A_177 : memref<!tpu.dma_semaphore, #tpu.memory_space<semaphore_mem>>)
        %dma_wait3A_182 = arith.constant 0 : i32
        %dma_wait3A_183 = tpu.memref_slice %arg6[%add3A_121, %dma_wait3A_182] : memref<10240x16xf32, #tpu.memory_space<hbm>> -> memref<128x16xf32, #tpu.memory_space<hbm>>
        %dma_wait3A_184 = arith.constant 0 : i32
        %dma_wait3A_185 = tpu.memref_slice %arg6[%add3A_121, %dma_wait3A_184] : memref<10240x16xf32, #tpu.memory_space<hbm>> -> memref<128x16xf32, #tpu.memory_space<hbm>>
        tpu.wait_dma2 semaphore(%run_scoped3A_177 : memref<!tpu.dma_semaphore, #tpu.memory_space<semaphore_mem>>) src(%arg13 : memref<128x16xf32, #tpu.memory_space<vmem>>) dst(%dma_wait3A_185 : memref<128x16xf32, #tpu.memory_space<hbm>>)
        tpu.yield
      }) : () -> ()
    } else {
    }
    %eq3A_124 = arith.constant 1 : i32
    %eq3A_125 = arith.cmpi eq, %arg0, %eq3A_124 : i32
    %convert_element_type3A_126 = arith.extui %eq3A_125 : i1 to i32
    %cond3A_127 = arith.constant 0 : i32
    %cond3A_128 = arith.cmpi ne, %convert_element_type3A_126, %cond3A_127 : i32
    scf.if %cond3A_128 {
      "tpu.region"() ({
        %run_scoped3A_177 = tpu.sem_alloc : memref<!tpu.dma_semaphore, #tpu.memory_space<semaphore_mem>>
        %dma_start3A_178 = arith.constant 0 : i32
        %dma_start3A_179 = tpu.memref_slice %arg7[%add3A_121, %dma_start3A_178] : memref<10240x16xf32, #tpu.memory_space<hbm>> -> memref<128x16xf32, #tpu.memory_space<hbm>>
        %dma_start3A_180 = arith.constant 0 : i32
        %dma_start3A_181 = tpu.memref_slice %arg7[%add3A_121, %dma_start3A_180] : memref<10240x16xf32, #tpu.memory_space<hbm>> -> memref<128x16xf32, #tpu.memory_space<hbm>>
        tpu.enqueue_dma source(%arg13 : memref<128x16xf32, #tpu.memory_space<vmem>>) target(%dma_start3A_181 : memref<128x16xf32, #tpu.memory_space<hbm>>) target_semaphore(%run_scoped3A_177 : memref<!tpu.dma_semaphore, #tpu.memory_space<semaphore_mem>>)
        %dma_wait3A_182 = arith.constant 0 : i32
        %dma_wait3A_183 = tpu.memref_slice %arg7[%add3A_121, %dma_wait3A_182] : memref<10240x16xf32, #tpu.memory_space<hbm>> -> memref<128x16xf32, #tpu.memory_space<hbm>>
        %dma_wait3A_184 = arith.constant 0 : i32
        %dma_wait3A_185 = tpu.memref_slice %arg7[%add3A_121, %dma_wait3A_184] : memref<10240x16xf32, #tpu.memory_space<hbm>> -> memref<128x16xf32, #tpu.memory_space<hbm>>
        tpu.wait_dma2 semaphore(%run_scoped3A_177 : memref<!tpu.dma_semaphore, #tpu.memory_space<semaphore_mem>>) src(%arg13 : memref<128x16xf32, #tpu.memory_space<vmem>>) dst(%dma_wait3A_185 : memref<128x16xf32, #tpu.memory_space<hbm>>)
        tpu.yield
      }) : () -> ()
    } else {
    }
    %add3A_129 = arith.constant 128 : i32
    %add3A_130 = arith.addi %mul3A_0, %add3A_129 : i32
    "tpu.region"() ({
      %run_scoped3A_177 = tpu.sem_alloc : memref<!tpu.dma_semaphore, #tpu.memory_space<semaphore_mem>>
      %dma_start3A_178 = arith.constant 0 : i32
      %dma_start3A_179 = tpu.memref_slice %arg9[%add3A_130, %dma_start3A_178] : memref<10240x16xf32, #tpu.memory_space<vmem_shared>> -> memref<128x16xf32, #tpu.memory_space<vmem_shared>>
      %dma_start3A_180 = arith.constant 0 : i32
      %dma_start3A_181 = tpu.memref_slice %arg9[%add3A_130, %dma_start3A_180] : memref<10240x16xf32, #tpu.memory_space<vmem_shared>> -> memref<128x16xf32, #tpu.memory_space<vmem_shared>>
      tpu.enqueue_dma source(%dma_start3A_181 : memref<128x16xf32, #tpu.memory_space<vmem_shared>>) target(%arg13 : memref<128x16xf32, #tpu.memory_space<vmem>>) target_semaphore(%run_scoped3A_177 : memref<!tpu.dma_semaphore, #tpu.memory_space<semaphore_mem>>)
      %dma_wait3A_182 = arith.constant 0 : i32
      %dma_wait3A_183 = tpu.memref_slice %arg9[%add3A_130, %dma_wait3A_182] : memref<10240x16xf32, #tpu.memory_space<vmem_shared>> -> memref<128x16xf32, #tpu.memory_space<vmem_shared>>
      %dma_wait3A_184 = arith.constant 0 : i32
      %dma_wait3A_185 = tpu.memref_slice %arg9[%add3A_130, %dma_wait3A_184] : memref<10240x16xf32, #tpu.memory_space<vmem_shared>> -> memref<128x16xf32, #tpu.memory_space<vmem_shared>>
      tpu.wait_dma2 semaphore(%run_scoped3A_177 : memref<!tpu.dma_semaphore, #tpu.memory_space<semaphore_mem>>) src(%dma_wait3A_185 : memref<128x16xf32, #tpu.memory_space<vmem_shared>>) dst(%arg13 : memref<128x16xf32, #tpu.memory_space<vmem>>)
      tpu.yield
    }) : () -> ()
    %eq3A_131 = arith.constant 0 : i32
    %eq3A_132 = arith.cmpi eq, %arg0, %eq3A_131 : i32
    %convert_element_type3A_133 = arith.extui %eq3A_132 : i1 to i32
    %cond3A_134 = arith.constant 0 : i32
    %cond3A_135 = arith.cmpi ne, %convert_element_type3A_133, %cond3A_134 : i32
    scf.if %cond3A_135 {
      "tpu.region"() ({
        %run_scoped3A_177 = tpu.sem_alloc : memref<!tpu.dma_semaphore, #tpu.memory_space<semaphore_mem>>
        %dma_start3A_178 = arith.constant 0 : i32
        %dma_start3A_179 = tpu.memref_slice %arg6[%add3A_130, %dma_start3A_178] : memref<10240x16xf32, #tpu.memory_space<hbm>> -> memref<128x16xf32, #tpu.memory_space<hbm>>
        %dma_start3A_180 = arith.constant 0 : i32
        %dma_start3A_181 = tpu.memref_slice %arg6[%add3A_130, %dma_start3A_180] : memref<10240x16xf32, #tpu.memory_space<hbm>> -> memref<128x16xf32, #tpu.memory_space<hbm>>
        tpu.enqueue_dma source(%arg13 : memref<128x16xf32, #tpu.memory_space<vmem>>) target(%dma_start3A_181 : memref<128x16xf32, #tpu.memory_space<hbm>>) target_semaphore(%run_scoped3A_177 : memref<!tpu.dma_semaphore, #tpu.memory_space<semaphore_mem>>)
        %dma_wait3A_182 = arith.constant 0 : i32
        %dma_wait3A_183 = tpu.memref_slice %arg6[%add3A_130, %dma_wait3A_182] : memref<10240x16xf32, #tpu.memory_space<hbm>> -> memref<128x16xf32, #tpu.memory_space<hbm>>
        %dma_wait3A_184 = arith.constant 0 : i32
        %dma_wait3A_185 = tpu.memref_slice %arg6[%add3A_130, %dma_wait3A_184] : memref<10240x16xf32, #tpu.memory_space<hbm>> -> memref<128x16xf32, #tpu.memory_space<hbm>>
        tpu.wait_dma2 semaphore(%run_scoped3A_177 : memref<!tpu.dma_semaphore, #tpu.memory_space<semaphore_mem>>) src(%arg13 : memref<128x16xf32, #tpu.memory_space<vmem>>) dst(%dma_wait3A_185 : memref<128x16xf32, #tpu.memory_space<hbm>>)
        tpu.yield
      }) : () -> ()
    } else {
    }
    %eq3A_136 = arith.constant 1 : i32
    %eq3A_137 = arith.cmpi eq, %arg0, %eq3A_136 : i32
    %convert_element_type3A_138 = arith.extui %eq3A_137 : i1 to i32
    %cond3A_139 = arith.constant 0 : i32
    %cond3A_140 = arith.cmpi ne, %convert_element_type3A_138, %cond3A_139 : i32
    scf.if %cond3A_140 {
      "tpu.region"() ({
        %run_scoped3A_177 = tpu.sem_alloc : memref<!tpu.dma_semaphore, #tpu.memory_space<semaphore_mem>>
        %dma_start3A_178 = arith.constant 0 : i32
        %dma_start3A_179 = tpu.memref_slice %arg7[%add3A_130, %dma_start3A_178] : memref<10240x16xf32, #tpu.memory_space<hbm>> -> memref<128x16xf32, #tpu.memory_space<hbm>>
        %dma_start3A_180 = arith.constant 0 : i32
        %dma_start3A_181 = tpu.memref_slice %arg7[%add3A_130, %dma_start3A_180] : memref<10240x16xf32, #tpu.memory_space<hbm>> -> memref<128x16xf32, #tpu.memory_space<hbm>>
        tpu.enqueue_dma source(%arg13 : memref<128x16xf32, #tpu.memory_space<vmem>>) target(%dma_start3A_181 : memref<128x16xf32, #tpu.memory_space<hbm>>) target_semaphore(%run_scoped3A_177 : memref<!tpu.dma_semaphore, #tpu.memory_space<semaphore_mem>>)
        %dma_wait3A_182 = arith.constant 0 : i32
        %dma_wait3A_183 = tpu.memref_slice %arg7[%add3A_130, %dma_wait3A_182] : memref<10240x16xf32, #tpu.memory_space<hbm>> -> memref<128x16xf32, #tpu.memory_space<hbm>>
        %dma_wait3A_184 = arith.constant 0 : i32
        %dma_wait3A_185 = tpu.memref_slice %arg7[%add3A_130, %dma_wait3A_184] : memref<10240x16xf32, #tpu.memory_space<hbm>> -> memref<128x16xf32, #tpu.memory_space<hbm>>
        tpu.wait_dma2 semaphore(%run_scoped3A_177 : memref<!tpu.dma_semaphore, #tpu.memory_space<semaphore_mem>>) src(%arg13 : memref<128x16xf32, #tpu.memory_space<vmem>>) dst(%dma_wait3A_185 : memref<128x16xf32, #tpu.memory_space<hbm>>)
        tpu.yield
      }) : () -> ()
    } else {
    }
    %add3A_141 = arith.constant 256 : i32
    %add3A_142 = arith.addi %mul3A_0, %add3A_141 : i32
    "tpu.region"() ({
      %run_scoped3A_177 = tpu.sem_alloc : memref<!tpu.dma_semaphore, #tpu.memory_space<semaphore_mem>>
      %dma_start3A_178 = arith.constant 0 : i32
      %dma_start3A_179 = tpu.memref_slice %arg9[%add3A_142, %dma_start3A_178] : memref<10240x16xf32, #tpu.memory_space<vmem_shared>> -> memref<128x16xf32, #tpu.memory_space<vmem_shared>>
      %dma_start3A_180 = arith.constant 0 : i32
      %dma_start3A_181 = tpu.memref_slice %arg9[%add3A_142, %dma_start3A_180] : memref<10240x16xf32, #tpu.memory_space<vmem_shared>> -> memref<128x16xf32, #tpu.memory_space<vmem_shared>>
      tpu.enqueue_dma source(%dma_start3A_181 : memref<128x16xf32, #tpu.memory_space<vmem_shared>>) target(%arg13 : memref<128x16xf32, #tpu.memory_space<vmem>>) target_semaphore(%run_scoped3A_177 : memref<!tpu.dma_semaphore, #tpu.memory_space<semaphore_mem>>)
      %dma_wait3A_182 = arith.constant 0 : i32
      %dma_wait3A_183 = tpu.memref_slice %arg9[%add3A_142, %dma_wait3A_182] : memref<10240x16xf32, #tpu.memory_space<vmem_shared>> -> memref<128x16xf32, #tpu.memory_space<vmem_shared>>
      %dma_wait3A_184 = arith.constant 0 : i32
      %dma_wait3A_185 = tpu.memref_slice %arg9[%add3A_142, %dma_wait3A_184] : memref<10240x16xf32, #tpu.memory_space<vmem_shared>> -> memref<128x16xf32, #tpu.memory_space<vmem_shared>>
      tpu.wait_dma2 semaphore(%run_scoped3A_177 : memref<!tpu.dma_semaphore, #tpu.memory_space<semaphore_mem>>) src(%dma_wait3A_185 : memref<128x16xf32, #tpu.memory_space<vmem_shared>>) dst(%arg13 : memref<128x16xf32, #tpu.memory_space<vmem>>)
      tpu.yield
    }) : () -> ()
    %eq3A_143 = arith.constant 0 : i32
    %eq3A_144 = arith.cmpi eq, %arg0, %eq3A_143 : i32
    %convert_element_type3A_145 = arith.extui %eq3A_144 : i1 to i32
    %cond3A_146 = arith.constant 0 : i32
    %cond3A_147 = arith.cmpi ne, %convert_element_type3A_145, %cond3A_146 : i32
    scf.if %cond3A_147 {
      "tpu.region"() ({
        %run_scoped3A_177 = tpu.sem_alloc : memref<!tpu.dma_semaphore, #tpu.memory_space<semaphore_mem>>
        %dma_start3A_178 = arith.constant 0 : i32
        %dma_start3A_179 = tpu.memref_slice %arg6[%add3A_142, %dma_start3A_178] : memref<10240x16xf32, #tpu.memory_space<hbm>> -> memref<128x16xf32, #tpu.memory_space<hbm>>
        %dma_start3A_180 = arith.constant 0 : i32
        %dma_start3A_181 = tpu.memref_slice %arg6[%add3A_142, %dma_start3A_180] : memref<10240x16xf32, #tpu.memory_space<hbm>> -> memref<128x16xf32, #tpu.memory_space<hbm>>
        tpu.enqueue_dma source(%arg13 : memref<128x16xf32, #tpu.memory_space<vmem>>) target(%dma_start3A_181 : memref<128x16xf32, #tpu.memory_space<hbm>>) target_semaphore(%run_scoped3A_177 : memref<!tpu.dma_semaphore, #tpu.memory_space<semaphore_mem>>)
        %dma_wait3A_182 = arith.constant 0 : i32
        %dma_wait3A_183 = tpu.memref_slice %arg6[%add3A_142, %dma_wait3A_182] : memref<10240x16xf32, #tpu.memory_space<hbm>> -> memref<128x16xf32, #tpu.memory_space<hbm>>
        %dma_wait3A_184 = arith.constant 0 : i32
        %dma_wait3A_185 = tpu.memref_slice %arg6[%add3A_142, %dma_wait3A_184] : memref<10240x16xf32, #tpu.memory_space<hbm>> -> memref<128x16xf32, #tpu.memory_space<hbm>>
        tpu.wait_dma2 semaphore(%run_scoped3A_177 : memref<!tpu.dma_semaphore, #tpu.memory_space<semaphore_mem>>) src(%arg13 : memref<128x16xf32, #tpu.memory_space<vmem>>) dst(%dma_wait3A_185 : memref<128x16xf32, #tpu.memory_space<hbm>>)
        tpu.yield
      }) : () -> ()
    } else {
    }
    %eq3A_148 = arith.constant 1 : i32
    %eq3A_149 = arith.cmpi eq, %arg0, %eq3A_148 : i32
    %convert_element_type3A_150 = arith.extui %eq3A_149 : i1 to i32
    %cond3A_151 = arith.constant 0 : i32
    %cond3A_152 = arith.cmpi ne, %convert_element_type3A_150, %cond3A_151 : i32
    scf.if %cond3A_152 {
      "tpu.region"() ({
        %run_scoped3A_177 = tpu.sem_alloc : memref<!tpu.dma_semaphore, #tpu.memory_space<semaphore_mem>>
        %dma_start3A_178 = arith.constant 0 : i32
        %dma_start3A_179 = tpu.memref_slice %arg7[%add3A_142, %dma_start3A_178] : memref<10240x16xf32, #tpu.memory_space<hbm>> -> memref<128x16xf32, #tpu.memory_space<hbm>>
        %dma_start3A_180 = arith.constant 0 : i32
        %dma_start3A_181 = tpu.memref_slice %arg7[%add3A_142, %dma_start3A_180] : memref<10240x16xf32, #tpu.memory_space<hbm>> -> memref<128x16xf32, #tpu.memory_space<hbm>>
        tpu.enqueue_dma source(%arg13 : memref<128x16xf32, #tpu.memory_space<vmem>>) target(%dma_start3A_181 : memref<128x16xf32, #tpu.memory_space<hbm>>) target_semaphore(%run_scoped3A_177 : memref<!tpu.dma_semaphore, #tpu.memory_space<semaphore_mem>>)
        %dma_wait3A_182 = arith.constant 0 : i32
        %dma_wait3A_183 = tpu.memref_slice %arg7[%add3A_142, %dma_wait3A_182] : memref<10240x16xf32, #tpu.memory_space<hbm>> -> memref<128x16xf32, #tpu.memory_space<hbm>>
        %dma_wait3A_184 = arith.constant 0 : i32
        %dma_wait3A_185 = tpu.memref_slice %arg7[%add3A_142, %dma_wait3A_184] : memref<10240x16xf32, #tpu.memory_space<hbm>> -> memref<128x16xf32, #tpu.memory_space<hbm>>
        tpu.wait_dma2 semaphore(%run_scoped3A_177 : memref<!tpu.dma_semaphore, #tpu.memory_space<semaphore_mem>>) src(%arg13 : memref<128x16xf32, #tpu.memory_space<vmem>>) dst(%dma_wait3A_185 : memref<128x16xf32, #tpu.memory_space<hbm>>)
        tpu.yield
      }) : () -> ()
    } else {
    }
    %add3A_153 = arith.constant 384 : i32
    %add3A_154 = arith.addi %mul3A_0, %add3A_153 : i32
    "tpu.region"() ({
      %run_scoped3A_177 = tpu.sem_alloc : memref<!tpu.dma_semaphore, #tpu.memory_space<semaphore_mem>>
      %dma_start3A_178 = arith.constant 0 : i32
      %dma_start3A_179 = tpu.memref_slice %arg9[%add3A_154, %dma_start3A_178] : memref<10240x16xf32, #tpu.memory_space<vmem_shared>> -> memref<128x16xf32, #tpu.memory_space<vmem_shared>>
      %dma_start3A_180 = arith.constant 0 : i32
      %dma_start3A_181 = tpu.memref_slice %arg9[%add3A_154, %dma_start3A_180] : memref<10240x16xf32, #tpu.memory_space<vmem_shared>> -> memref<128x16xf32, #tpu.memory_space<vmem_shared>>
      tpu.enqueue_dma source(%dma_start3A_181 : memref<128x16xf32, #tpu.memory_space<vmem_shared>>) target(%arg13 : memref<128x16xf32, #tpu.memory_space<vmem>>) target_semaphore(%run_scoped3A_177 : memref<!tpu.dma_semaphore, #tpu.memory_space<semaphore_mem>>)
      %dma_wait3A_182 = arith.constant 0 : i32
      %dma_wait3A_183 = tpu.memref_slice %arg9[%add3A_154, %dma_wait3A_182] : memref<10240x16xf32, #tpu.memory_space<vmem_shared>> -> memref<128x16xf32, #tpu.memory_space<vmem_shared>>
      %dma_wait3A_184 = arith.constant 0 : i32
      %dma_wait3A_185 = tpu.memref_slice %arg9[%add3A_154, %dma_wait3A_184] : memref<10240x16xf32, #tpu.memory_space<vmem_shared>> -> memref<128x16xf32, #tpu.memory_space<vmem_shared>>
      tpu.wait_dma2 semaphore(%run_scoped3A_177 : memref<!tpu.dma_semaphore, #tpu.memory_space<semaphore_mem>>) src(%dma_wait3A_185 : memref<128x16xf32, #tpu.memory_space<vmem_shared>>) dst(%arg13 : memref<128x16xf32, #tpu.memory_space<vmem>>)
      tpu.yield
    }) : () -> ()
    %eq3A_155 = arith.constant 0 : i32
    %eq3A_156 = arith.cmpi eq, %arg0, %eq3A_155 : i32
    %convert_element_type3A_157 = arith.extui %eq3A_156 : i1 to i32
    %cond3A_158 = arith.constant 0 : i32
    %cond3A_159 = arith.cmpi ne, %convert_element_type3A_157, %cond3A_158 : i32
    scf.if %cond3A_159 {
      "tpu.region"() ({
        %run_scoped3A_177 = tpu.sem_alloc : memref<!tpu.dma_semaphore, #tpu.memory_space<semaphore_mem>>
        %dma_start3A_178 = arith.constant 0 : i32
        %dma_start3A_179 = tpu.memref_slice %arg6[%add3A_154, %dma_start3A_178] : memref<10240x16xf32, #tpu.memory_space<hbm>> -> memref<128x16xf32, #tpu.memory_space<hbm>>
        %dma_start3A_180 = arith.constant 0 : i32
        %dma_start3A_181 = tpu.memref_slice %arg6[%add3A_154, %dma_start3A_180] : memref<10240x16xf32, #tpu.memory_space<hbm>> -> memref<128x16xf32, #tpu.memory_space<hbm>>
        tpu.enqueue_dma source(%arg13 : memref<128x16xf32, #tpu.memory_space<vmem>>) target(%dma_start3A_181 : memref<128x16xf32, #tpu.memory_space<hbm>>) target_semaphore(%run_scoped3A_177 : memref<!tpu.dma_semaphore, #tpu.memory_space<semaphore_mem>>)
        %dma_wait3A_182 = arith.constant 0 : i32
        %dma_wait3A_183 = tpu.memref_slice %arg6[%add3A_154, %dma_wait3A_182] : memref<10240x16xf32, #tpu.memory_space<hbm>> -> memref<128x16xf32, #tpu.memory_space<hbm>>
        %dma_wait3A_184 = arith.constant 0 : i32
        %dma_wait3A_185 = tpu.memref_slice %arg6[%add3A_154, %dma_wait3A_184] : memref<10240x16xf32, #tpu.memory_space<hbm>> -> memref<128x16xf32, #tpu.memory_space<hbm>>
        tpu.wait_dma2 semaphore(%run_scoped3A_177 : memref<!tpu.dma_semaphore, #tpu.memory_space<semaphore_mem>>) src(%arg13 : memref<128x16xf32, #tpu.memory_space<vmem>>) dst(%dma_wait3A_185 : memref<128x16xf32, #tpu.memory_space<hbm>>)
        tpu.yield
      }) : () -> ()
    } else {
    }
    %eq3A_160 = arith.constant 1 : i32
    %eq3A_161 = arith.cmpi eq, %arg0, %eq3A_160 : i32
    %convert_element_type3A_162 = arith.extui %eq3A_161 : i1 to i32
    %cond3A_163 = arith.constant 0 : i32
    %cond3A_164 = arith.cmpi ne, %convert_element_type3A_162, %cond3A_163 : i32
    scf.if %cond3A_164 {
      "tpu.region"() ({
        %run_scoped3A_177 = tpu.sem_alloc : memref<!tpu.dma_semaphore, #tpu.memory_space<semaphore_mem>>
        %dma_start3A_178 = arith.constant 0 : i32
        %dma_start3A_179 = tpu.memref_slice %arg7[%add3A_154, %dma_start3A_178] : memref<10240x16xf32, #tpu.memory_space<hbm>> -> memref<128x16xf32, #tpu.memory_space<hbm>>
        %dma_start3A_180 = arith.constant 0 : i32
        %dma_start3A_181 = tpu.memref_slice %arg7[%add3A_154, %dma_start3A_180] : memref<10240x16xf32, #tpu.memory_space<hbm>> -> memref<128x16xf32, #tpu.memory_space<hbm>>
        tpu.enqueue_dma source(%arg13 : memref<128x16xf32, #tpu.memory_space<vmem>>) target(%dma_start3A_181 : memref<128x16xf32, #tpu.memory_space<hbm>>) target_semaphore(%run_scoped3A_177 : memref<!tpu.dma_semaphore, #tpu.memory_space<semaphore_mem>>)
        %dma_wait3A_182 = arith.constant 0 : i32
        %dma_wait3A_183 = tpu.memref_slice %arg7[%add3A_154, %dma_wait3A_182] : memref<10240x16xf32, #tpu.memory_space<hbm>> -> memref<128x16xf32, #tpu.memory_space<hbm>>
        %dma_wait3A_184 = arith.constant 0 : i32
        %dma_wait3A_185 = tpu.memref_slice %arg7[%add3A_154, %dma_wait3A_184] : memref<10240x16xf32, #tpu.memory_space<hbm>> -> memref<128x16xf32, #tpu.memory_space<hbm>>
        tpu.wait_dma2 semaphore(%run_scoped3A_177 : memref<!tpu.dma_semaphore, #tpu.memory_space<semaphore_mem>>) src(%arg13 : memref<128x16xf32, #tpu.memory_space<vmem>>) dst(%dma_wait3A_185 : memref<128x16xf32, #tpu.memory_space<hbm>>)
        tpu.yield
      }) : () -> ()
    } else {
    }
    %add3A_165 = arith.constant 512 : i32
    %add3A_166 = arith.addi %mul3A_0, %add3A_165 : i32
    "tpu.region"() ({
      %run_scoped3A_177 = tpu.sem_alloc : memref<!tpu.dma_semaphore, #tpu.memory_space<semaphore_mem>>
      %dma_start3A_178 = arith.constant 0 : i32
      %dma_start3A_179 = tpu.memref_slice %arg9[%add3A_166, %dma_start3A_178] : memref<10240x16xf32, #tpu.memory_space<vmem_shared>> -> memref<128x16xf32, #tpu.memory_space<vmem_shared>>
      %dma_start3A_180 = arith.constant 0 : i32
      %dma_start3A_181 = tpu.memref_slice %arg9[%add3A_166, %dma_start3A_180] : memref<10240x16xf32, #tpu.memory_space<vmem_shared>> -> memref<128x16xf32, #tpu.memory_space<vmem_shared>>
      tpu.enqueue_dma source(%dma_start3A_181 : memref<128x16xf32, #tpu.memory_space<vmem_shared>>) target(%arg13 : memref<128x16xf32, #tpu.memory_space<vmem>>) target_semaphore(%run_scoped3A_177 : memref<!tpu.dma_semaphore, #tpu.memory_space<semaphore_mem>>)
      %dma_wait3A_182 = arith.constant 0 : i32
      %dma_wait3A_183 = tpu.memref_slice %arg9[%add3A_166, %dma_wait3A_182] : memref<10240x16xf32, #tpu.memory_space<vmem_shared>> -> memref<128x16xf32, #tpu.memory_space<vmem_shared>>
      %dma_wait3A_184 = arith.constant 0 : i32
      %dma_wait3A_185 = tpu.memref_slice %arg9[%add3A_166, %dma_wait3A_184] : memref<10240x16xf32, #tpu.memory_space<vmem_shared>> -> memref<128x16xf32, #tpu.memory_space<vmem_shared>>
      tpu.wait_dma2 semaphore(%run_scoped3A_177 : memref<!tpu.dma_semaphore, #tpu.memory_space<semaphore_mem>>) src(%dma_wait3A_185 : memref<128x16xf32, #tpu.memory_space<vmem_shared>>) dst(%arg13 : memref<128x16xf32, #tpu.memory_space<vmem>>)
      tpu.yield
    }) : () -> ()
    %eq3A_167 = arith.constant 0 : i32
    %eq3A_168 = arith.cmpi eq, %arg0, %eq3A_167 : i32
    %convert_element_type3A_169 = arith.extui %eq3A_168 : i1 to i32
    %cond3A_170 = arith.constant 0 : i32
    %cond3A_171 = arith.cmpi ne, %convert_element_type3A_169, %cond3A_170 : i32
    scf.if %cond3A_171 {
      "tpu.region"() ({
        %run_scoped3A_177 = tpu.sem_alloc : memref<!tpu.dma_semaphore, #tpu.memory_space<semaphore_mem>>
        %dma_start3A_178 = arith.constant 0 : i32
        %dma_start3A_179 = tpu.memref_slice %arg6[%add3A_166, %dma_start3A_178] : memref<10240x16xf32, #tpu.memory_space<hbm>> -> memref<128x16xf32, #tpu.memory_space<hbm>>
        %dma_start3A_180 = arith.constant 0 : i32
        %dma_start3A_181 = tpu.memref_slice %arg6[%add3A_166, %dma_start3A_180] : memref<10240x16xf32, #tpu.memory_space<hbm>> -> memref<128x16xf32, #tpu.memory_space<hbm>>
        tpu.enqueue_dma source(%arg13 : memref<128x16xf32, #tpu.memory_space<vmem>>) target(%dma_start3A_181 : memref<128x16xf32, #tpu.memory_space<hbm>>) target_semaphore(%run_scoped3A_177 : memref<!tpu.dma_semaphore, #tpu.memory_space<semaphore_mem>>)
        %dma_wait3A_182 = arith.constant 0 : i32
        %dma_wait3A_183 = tpu.memref_slice %arg6[%add3A_166, %dma_wait3A_182] : memref<10240x16xf32, #tpu.memory_space<hbm>> -> memref<128x16xf32, #tpu.memory_space<hbm>>
        %dma_wait3A_184 = arith.constant 0 : i32
        %dma_wait3A_185 = tpu.memref_slice %arg6[%add3A_166, %dma_wait3A_184] : memref<10240x16xf32, #tpu.memory_space<hbm>> -> memref<128x16xf32, #tpu.memory_space<hbm>>
        tpu.wait_dma2 semaphore(%run_scoped3A_177 : memref<!tpu.dma_semaphore, #tpu.memory_space<semaphore_mem>>) src(%arg13 : memref<128x16xf32, #tpu.memory_space<vmem>>) dst(%dma_wait3A_185 : memref<128x16xf32, #tpu.memory_space<hbm>>)
        tpu.yield
      }) : () -> ()
    } else {
    }
    %eq3A_172 = arith.constant 1 : i32
    %eq3A_173 = arith.cmpi eq, %arg0, %eq3A_172 : i32
    %convert_element_type3A_174 = arith.extui %eq3A_173 : i1 to i32
    %cond3A_175 = arith.constant 0 : i32
    %cond3A_176 = arith.cmpi ne, %convert_element_type3A_174, %cond3A_175 : i32
    scf.if %cond3A_176 {
      "tpu.region"() ({
        %run_scoped3A_177 = tpu.sem_alloc : memref<!tpu.dma_semaphore, #tpu.memory_space<semaphore_mem>>
        %dma_start3A_178 = arith.constant 0 : i32
        %dma_start3A_179 = tpu.memref_slice %arg7[%add3A_166, %dma_start3A_178] : memref<10240x16xf32, #tpu.memory_space<hbm>> -> memref<128x16xf32, #tpu.memory_space<hbm>>
        %dma_start3A_180 = arith.constant 0 : i32
        %dma_start3A_181 = tpu.memref_slice %arg7[%add3A_166, %dma_start3A_180] : memref<10240x16xf32, #tpu.memory_space<hbm>> -> memref<128x16xf32, #tpu.memory_space<hbm>>
        tpu.enqueue_dma source(%arg13 : memref<128x16xf32, #tpu.memory_space<vmem>>) target(%dma_start3A_181 : memref<128x16xf32, #tpu.memory_space<hbm>>) target_semaphore(%run_scoped3A_177 : memref<!tpu.dma_semaphore, #tpu.memory_space<semaphore_mem>>)
        %dma_wait3A_182 = arith.constant 0 : i32
        %dma_wait3A_183 = tpu.memref_slice %arg7[%add3A_166, %dma_wait3A_182] : memref<10240x16xf32, #tpu.memory_space<hbm>> -> memref<128x16xf32, #tpu.memory_space<hbm>>
        %dma_wait3A_184 = arith.constant 0 : i32
        %dma_wait3A_185 = tpu.memref_slice %arg7[%add3A_166, %dma_wait3A_184] : memref<10240x16xf32, #tpu.memory_space<hbm>> -> memref<128x16xf32, #tpu.memory_space<hbm>>
        tpu.wait_dma2 semaphore(%run_scoped3A_177 : memref<!tpu.dma_semaphore, #tpu.memory_space<semaphore_mem>>) src(%arg13 : memref<128x16xf32, #tpu.memory_space<vmem>>) dst(%dma_wait3A_185 : memref<128x16xf32, #tpu.memory_space<hbm>>)
        tpu.yield
      }) : () -> ()
    } else {
    }
    return
  }
}

module attributes {stable_mosaic.version = 14 : i64} {
  func.func @_enc_body(%arg0: i32, %arg1: memref<1000x256xf32, #tpu.memory_space<vmem>>, %arg2: memref<256x32xf32, #tpu.memory_space<vmem>>, %arg3: memref<1000x16xf32, #tpu.memory_space<vmem>>, %arg4: memref<1000x16xf32, #tpu.memory_space<vmem>>) attributes {dimension_semantics = [#tpu.dimension_semantics<arbitrary>], iteration_bounds = array<i64: 10>, scalar_prefetch = 0 : i64, scratch_operands = 0 : i64, tpu.core_type = #tpu.core_type<tc>, window_params = [{transform_indices = @transform_0, window_bounds = array<i64: 1000, 256>}, {pipeline_mode = #tpu.pipeline_mode<synchronous>, transform_indices = @transform_1, window_bounds = array<i64: 256, 32>}, {transform_indices = @transform_2, window_bounds = array<i64: 1000, 16>}, {transform_indices = @transform_3, window_bounds = array<i64: 1000, 16>}]} {
    %get3A = arith.constant 0 : index
    %get3A_0 = arith.constant 0 : index
    %get3A_1 = vector.load %arg1[%get3A, %get3A_0] : memref<1000x256xf32, #tpu.memory_space<vmem>>, vector<1000x256xf32>
    %get3A_2 = arith.constant 0 : index
    %get3A_3 = arith.constant 0 : index
    %get3A_4 = vector.load %arg2[%get3A_2, %get3A_3] : memref<256x32xf32, #tpu.memory_space<vmem>>, vector<256x32xf32>
    %dot_general3A = arith.constant dense<0.000000e+00> : vector<1000x32xf32>
    %dot_general3A_5 = tpu.matmul %get3A_1, %get3A_4, %dot_general3A {dimension_numbers = #tpu.dot_dimension_numbers<[1], [0], [0], [1], [0, 0, 1, 1], [], []>, transpose_lhs_hint = false} : vector<1000x256xf32>, vector<256x32xf32>, vector<1000x32xf32> -> vector<1000x32xf32>
    %slice3A = vector.extract_strided_slice %dot_general3A_5 {offsets = [0, 0], sizes = [1000, 16], strides = [1, 1]} : vector<1000x32xf32> to vector<1000x16xf32>
    %swap3A = arith.constant 0 : index
    %swap3A_6 = arith.constant 0 : index
    %swap3A_7 = vector.load %arg3[%swap3A, %swap3A_6] : memref<1000x16xf32, #tpu.memory_space<vmem>>, vector<1000x16xf32>
    tpu.vector_store %arg3[%swap3A, %swap3A_6], %slice3A {strides = array<i32>} : memref<1000x16xf32, #tpu.memory_space<vmem>>, vector<1000x16xf32>,
    %slice3A_8 = vector.extract_strided_slice %dot_general3A_5 {offsets = [0, 16], sizes = [1000, 16], strides = [1, 1]} : vector<1000x32xf32> to vector<1000x16xf32>
    %swap3A_9 = arith.constant 0 : index
    %swap3A_10 = arith.constant 0 : index
    %swap3A_11 = vector.load %arg4[%swap3A_9, %swap3A_10] : memref<1000x16xf32, #tpu.memory_space<vmem>>, vector<1000x16xf32>
    tpu.vector_store %arg4[%swap3A_9, %swap3A_10], %slice3A_8 {strides = array<i32>} : memref<1000x16xf32, #tpu.memory_space<vmem>>, vector<1000x16xf32>,
    return
  }
  func.func @transform_0(%arg0: i32) -> (i32, i32) {
    %c0_i32 = arith.constant 0 : i32
    %c0_i32_0 = arith.constant 0 : i32
    return %arg0, %c0_i32 : i32, i32
  }
  func.func @transform_1(%arg0: i32) -> (i32, i32) {
    %c0_i32 = arith.constant 0 : i32
    %c0_i32_0 = arith.constant 0 : i32
    %c0_i32_1 = arith.constant 0 : i32
    return %c0_i32, %c0_i32_0 : i32, i32
  }
  func.func @transform_2(%arg0: i32) -> (i32, i32) {
    %c0_i32 = arith.constant 0 : i32
    %c0_i32_0 = arith.constant 0 : i32
    return %arg0, %c0_i32 : i32, i32
  }
  func.func @transform_3(%arg0: i32) -> (i32, i32) {
    %c0_i32 = arith.constant 0 : i32
    %c0_i32_0 = arith.constant 0 : i32
    return %arg0, %c0_i32 : i32, i32
  }
}

</mosaic_0001>

<sc_bundles>
// kernel: kernel.4.cloned.1.call-start
scs
__scs_entry_jumppad:
0x0: {  	(pc) =	sbr.rel $0x88, $3  }
0x1: {  	(tag) =	ssettag $0x0;
	lr =	simm.s32 $0x1  }
0x2: {  	[smem:$0x3F9D] =	sst lr;
	_ =	strace $0xD0000000  }
0x3: {  	_ = 	snop  }
0x4: {  	_ = 	snop  }
0x5: {  	_ = 	snop  }
0x6: {  	_ = 	snop  }
0x7: {  	_ = 	snop  }
__scs_overlays_trampoline_lowered:
0x8: {  	[smem:$0x3FAC] =	sst s0  }
0x9: {  	[smem:$0x3FAD] =	sst s1  }
0xa: {  	[smem:$0x3FAE] =	sst s2  }
0xb: {  	[smem:$0x3FAF] =	sst s3  }
0xc: {  	[smem:$0x3FB0] =	sst s4  }
0xd: {  	[smem:$0x3FB1] =	sst s5  }
0xe: {  	[smem:$0x3FB2] =	sst s6  }
0xf: {  	[smem:$0x3FB3] =	sst s7  }
0x10: {  	[smem:$0x3FB4] =	sst s8  }
0x11: {  	[smem:$0x3FB5] =	sst s9;
	s0 =	simm.s32 @!p0 $0x0  }
0x12: {  	s1 =	sld [smem:$0x3F9B];
	s0 =	simm.s32 @p0 $0x1  }
0x13: {  	[smem:$0x3FB6] =	sst s0;
	s0 =	simm.s32 @!p1 $0x0  }
0x14: {  	s2 =	sld [smem:$0x3F9A];
	s0 =	simm.s32 @p1 $0x1  }
0x15: {  	[smem:$0x3FB7] =	sst s0;
	s0 =	simm.s32 @!p2 $0x0  }
0x16: {  	s3 =	sld [smem:$0x3FDB];
	s0 =	simm.s32 @p2 $0x1  }
0x17: {  	s4 =	simm.s32 $0x1BF5;
	[smem:$0x3FB9] =	sst s0  }
0x18: {  	s0 =	sld [smem:$0x3F9C];
	_ =	swait.ge [sflag:s4], $0x0  }
0x19: {  	s7 =	sld [smem:$0x3F9D]  }
0x1a: {  	s8 =	sadd.s32 $0xFFFFE003, lr  }
0x1b: {  	s9 =	sadd.s32 $0xFFFFFEF7, lr;
	s5 =	simm.s32 $0xFFFFFFFF;
	p2 =	slt.u32 s8, $0xFFFFF086  }
0x1c: {  	p1 =	slt.u32 s9, $0xF7A;
	s5 =	simm.s32 @!p2 $0x0  }
0x1d: {  	s5 =	simm.s32 @p1 $0x1;
	p0 =	seq.s32 s7, s2  }
0x1e: {  	s7 =	smul.u32 @!p0 $0xF7A, s2;
	p2 =	seq.s32 @!p0 s5, $0x0  }
0x1f: {  	s9 =	smul.u32 $0xF7A, s1;
	s8 =	simm.s32 @!p0 $0x1BF5;
	p2 =	por !p2, p0  }
0x20: {  	[sflag:s8] =	ssyncset.s32 @!p0 $0xFFFFF086;
	s6 =	sadd.s32 @!p0 s3, s7;
	s7 =	simm.s32 @!p0 $0x108  }
0x21: {  	s3 =	sadd.s32 s3, s9;
	s6 =	sadd.s32 @!p0 $0x88, s6;
	s7 =	simm.s32 @p2 $0x1082  }
0x22: {  	[simem:s7], [sflag:s8] =	dma.local @!p0 [hbm:s6], $0xF7A  }
0x23: {  	s9 =	sor.u32 $0xD0000000, s2;
	s6 =	simm.s32 $0x108;
	_ =	swait.ge @!p0 [sflag:s8], $0x0  }
0x24: {  	s3 =	sadd.s32 $0x88, s3;
	s6 =	simm.s32 @!p1 $0x1082;
	[sflag:s4] =	ssyncset.s32 $0xFFFFF086  }
0x25: {  	[simem:s6], [sflag:s4] =	dma.local [hbm:s3], $0xF7A  }
0x26: {  	[smem:$0x3F9D] =	sst s1;
	(tag) =	ssettag s2;
	_ =	strace s9  }
0x27: {  	s1 =	sld [smem:$0x3FAD]  }
0x28: {  	s2 =	sld [smem:$0x3FAE]  }
0x29: {  	s4 =	sld [smem:$0x3FB0]  }
0x2a: {  	p0 =	seq.s32 s5, $0x0;
	s5 =	sld [smem:$0x3FB1]  }
0x2b: {  	s6 =	sld [smem:$0x3FB2]  }
0x2c: {  	s7 =	sld [smem:$0x3FB3]  }
0x2d: {  	s3 =	simm.s32 $0x108;
	s8 =	sld [smem:$0x3FB4]  }
0x2e: {  	s3 =	simm.s32 @!p0 $0x1082;
	s9 =	sld [smem:$0x3FB5]  }
0x2f: {  	lr =	sadd.s32 s0, s3;
	s0 =	sld [smem:$0x3FAC]  }
0x30: {  	s3 =	sld [smem:$0x3FAF]  }
0x31: {  	[smem:$0x3FB8] =	sst s10  }
0x32: {  	s10 =	sld [smem:$0x3FB6];
	_ =	sdelay $0x3  }
0x33: {  	p0 =	seq.s32 s10, $0x1;
	s10 =	sld [smem:$0x3FB8];
	_ =	sdelay $0x3  }
0x34: {  	[smem:$0x3FB8] =	sst s10  }
0x35: {  	s10 =	sld [smem:$0x3FB7];
	_ =	sdelay $0x3  }
0x36: {  	p1 =	seq.s32 s10, $0x1;
	s10 =	sld [smem:$0x3FB8];
	_ =	sdelay $0x3  }
0x37: {  	[smem:$0x3FB8] =	sst s10  }
0x38: {  	s10 =	sld [smem:$0x3FB9]  }
0x39: {  	_ = 	snop;
	(pc) =	sbr.ind lr, $3  }
0x3a: {  	_ = 	snop  }
0x3b: {  	_ = 	snop  }
0x3c: {  	p2 =	seq.s32 s10, $0x1;
	s10 =	sld [smem:$0x3FB8]  }
0x3d: {  	_ =	shalt  }
0x3e: {  	_ =	shalt  }
0x3f: {  	_ =	shalt  }
0x40: {  	_ =	shalt  }
0x41: {  	_ =	shalt  }
0x42: {  	_ =	shalt  }
0x43: {  	_ =	shalt  }
0x44: {  	_ =	shalt  }
0x45: {  	_ =	shalt  }
0x46: {  	_ =	shalt  }
0x47: {  	_ =	shalt  }
0x48: {  	_ =	shalt  }
0x49: {  	_ =	shalt  }
0x4a: {  	_ =	shalt  }
0x4b: {  	_ =	shalt  }
0x4c: {  	_ =	shalt  }
0x4d: {  	_ =	shalt  }
0x4e: {  	_ =	shalt  }
0x4f: {  	_ =	shalt  }
0x50: {  	_ =	shalt  }
0x51: {  	_ =	shalt  }
0x52: {  	_ =	shalt  }
0x53: {  	_ =	shalt  }
0x54: {  	_ =	shalt  }
0x55: {  	_ =	shalt  }
0x56: {  	_ =	shalt  }
0x57: {  	_ =	shalt  }
0x58: {  	_ =	shalt  }
0x59: {  	_ =	shalt  }
0x5a: {  	_ =	shalt  }
0x5b: {  	_ =	shalt  }
0x5c: {  	_ =	shalt  }
0x5d: {  	_ =	shalt  }
0x5e: {  	_ =	shalt  }
0x5f: {  	_ =	shalt  }
0x60: {  	_ =	shalt  }
0x61: {  	_ =	shalt  }
0x62: {  	_ =	shalt  }
0x63: {  	_ =	shalt  }
0x64: {  	_ =	shalt  }
0x65: {  	_ =	shalt  }
0x66: {  	_ =	shalt  }
0x67: {  	_ =	shalt  }
0x68: {  	_ =	shalt  }
0x69: {  	_ =	shalt  }
0x6a: {  	_ =	shalt  }
0x6b: {  	_ =	shalt  }
0x6c: {  	_ =	shalt  }
0x6d: {  	_ =	shalt  }
0x6e: {  	_ =	shalt  }
0x6f: {  	_ =	shalt  }
0x70: {  	_ =	shalt  }
0x71: {  	_ =	shalt  }
0x72: {  	_ =	shalt  }
0x73: {  	_ =	shalt  }
0x74: {  	_ =	shalt  }
0x75: {  	_ =	shalt  }
0x76: {  	_ =	shalt  }
0x77: {  	_ =	shalt  }
0x78: {  	_ =	shalt  }
0x79: {  	_ =	shalt  }
0x7a: {  	_ =	shalt  }
0x7b: {  	_ =	shalt  }
0x7c: {  	_ =	shalt  }
0x7d: {  	_ =	shalt  }
0x7e: {  	_ =	shalt  }
0x7f: {  	_ =	shalt  }
0x80: {  	_ =	shalt  }
0x81: {  	_ =	shalt  }
0x82: {  	_ =	shalt  }
0x83: {  	_ =	shalt  }
0x84: {  	_ =	shalt  }
0x85: {  	_ =	shalt  }
0x86: {  	_ =	shalt  }
0x87: {  	_ =	shalt  }
.Lfunc_end0:
.L_simem_size_0:
called_computation_lowered:
.L_overlay_start_0:
0x88: {  	s2 =	sld [smem:$0x3FD9]  }
0x89: {  	s3 =	sld [smem:$0x3FFE];
	_ =	sdelay $0x1  }
0x8a: {  	s1 =	srdreg.scid  }
0x8b: {  	s0 =	sand.u32 $0x1, s1  }
0x8c: {  	s17 =	sshll.u32 s0, $0xA;
	s2 =	sadd.s32 s3, s2  }
0x8d: {  	s2 =	sadd.s32 s2, s17  }
0x8e: {  	[smem:$0x3FC4] =	sst s2  }
0x8f: {  	_ = 	snop  }
0x90: {  	s2 =	sld [smem:$0x3FD0];
	(tm) =	ssettm $0x1  }
0x91: {  	s18 =	sld [smem:$0x3FFB];
	_ =	sdelay $0x3  }
0x92: {  	_ =	strace s18  }
0x93: {  	s3 =	sld [smem:$0x3FFC];
	_ =	sdelay $0x3  }
0x94: {  	_ =	strace s3  }
0x95: {  	s3 =	sld [smem:$0x3FFD];
	_ =	sdelay $0x3  }
0x96: {  	_ =	strace s3  }
0x97: {  	_ =	strace $0x8FFFFFFF  }
0x98: {  	s19 =	sld [smem:$0x3FDB];
	_ =	sdelay $0x1  }
0x99: {  	s4 =	simm.s32 $_scs_section_size  }
0x9a: {  	s5 =	simm.s32 $_size__tile_overlayer_lowered;
	s6 =	simm.s32 $_tile_overlayer_lowered  }
0x9b: {  	s22 =	simm.s32 $0x1BFF;
	s21 =	sshll.u32 s6, $0x1;
	s3 =	sadd.s32 s4, s19  }
0x9c: {  	s7 =	simm.s32 $0x0;
	s20 =	sshll.u32 s5, $0x1;
	s5 =	sadd.s32 s21, s3  }
0x9d: {  	[timem:s7], [sflag:s22] =	dma.local [hbm:s5], s20  }
0x9e: {  	_ =	swait.ge [sflag:s22], s20  }
0x9f: {  	s4 =	ssub.s32 $0x0, s20;
	[sflag:s22] =	ssyncset.done $0x0  }
0xa0: {  	[sflag:s22] =	ssyncadd.s32 s4;
	_ =	sdelay $0x1  }
0xa1: {  	s23 =	simm.s32 $0x1B8B  }
0xa2: {  	_ =	swait.ge [sflag:s23], $0x1  }
0xa3: {  	[sflag:s23] =	ssyncset.done $0x0  }
0xa4: {  	s25 =	simm.s32 $0x1B8E;
	s24 =	sld [smem:$0x3FFE];
	[sflag:s23] =	ssyncadd.s32 $0xFFFFFFFF  }
0xa5: {  	s26 =	simm.s32 $execute0_lowered;
	[smem:$0x3FD2] =	sst s25  }
0xa6: {  	s5 =	sshll.u32 s26, $0x1;
	_ =	strace $0x80000046;
	[dreg:$0x1] =	wrdreg $0xFFFFFFFF  }
0xa7: {  	s28 =	simm.s32 $_size_execute0_lowered;
	s3 =	sadd.s32 s3, s5;
	[dreg:$0x0] =	wrdreg $0x0  }
0xa8: {  	s5 =	sshll.u32 s28, $0x1;
	[dreg:$0x2] =	wrdreg s3  }
0xa9: {  	[dreg:$0x3] =	wrdreg s5  }
0xaa: {  	[dreg:$0x4] =	wrdreg $0xC0  }
0xab: {  	_ =	task [dreg:s7], $0x5FFFF  }
0xac: {  	[dreg:$0x1] =	wrdreg $0xFFFFFFFF  }
0xad: {  	[dreg:$0x0] =	wrdreg $0x60  }
0xae: {  	[dreg:$0x2] =	wrdreg s24  }
0xaf: {  	[dreg:$0x3] =	wrdreg s2  }
0xb0: {  	[dreg:$0x4] =	wrdreg $0x0  }
0xb1: {  	[dreg:$0x5] =	wrdreg $0x28000  }
0xb2: {  	[dreg:$0x6] =	wrdreg $0x9  }
0xb3: {  	_ =	task.clear_ibuf [dreg:s7], $0x7FFFF;
	_ =	strace $0x90000046  }
0xb4: {  	s29 =	simm.s32 $0x9;
	_ =	strace $0x80000048  }
0xb5: {  	_ =	swait.ge [sflag:s29], $0x1  }
0xb6: {  	[sflag:s29] =	ssyncadd.s32 $0xFFFFFFFF  }
0xb7: {  	_ =	strace $0x90000048  }
0xb8: {  	_ =	sfence  }
0xb9: {  	s30 =	sld [smem:$0x0];
	_ =	sdelay $0x2  }
0xba: {  	s31 =	sshll.u32 s1, $0xD;
	s1 =	sshrl.u32 s1, $0x2  }
0xbb: {  	s3 =	sand.u32 $0x4000, s31;
	s1 =	sadd.s32 s1, s30  }
0xbc: {  	s0 =	sor.u32 s3, s0;
	s1 =	sshll.u32 s1, $0x11  }
0xbd: {  	s0 =	sor.u32 s1, s0  }
0xbe: {  	s0 =	sadd.s32 $0x8F2B, s0  }
0xbf: {  	[sflag:s0] =	ssyncadd.remote.s32 $0x1  }
0xc0: {  	_ =	sfence.sel $0xFFFF  }
0xc1: {  	[dreg:$0x0] =	wrdreg $0xFFFFFFFF;
	(pc) =	sbr.abs _section_cstart, $3  }
0xc2: {  	[dreg:$0x1] =	wrdreg $0xFFFFFFFF  }
0xc3: {  	_ =	task.clear_ibuf [dreg:s7], $0x2FFFF;
	_ =	strace $0x9FFFFFFF  }
0xc4: {  	(tm) =	ssettm $0x7FFFFFFF  }
0xc5: {  	_ =	shalt  }
tec
execute0_lowered:
.L_overlay_start_1:
0x0: {  	(tag) =	ssettag $0x1  }
0x1: {  	s0 =	rddreg [dreg:$0x0]  }
0x2: {  	s4 =	rddreg [dreg:$0x1]  }
0x3: {  	s1 =	rddreg [dreg:$0x2]  }
0x4: {  	s2 =	rddreg [dreg:$0x3];
	s3 =	simm.s32 $0x0  }
0x5: {  	s5 =	srdreg.scid;
	s13 =	stileid.u32;
	s31 =	simm.s32 $0x5000  }
0x6: {  	s28 =	simm.s32 $0xD680;
	s29 =	simm.s32 $0x2;
	s11 =	smul.u32 $0x4F0, s13  }
0x7: {  	s30 =	simm.s32 $0x0;
	s6 =	sand.u32 $0x1, s5;
	s19 =	smul.u32 $0x2800, s13  }
0x8: {  	[smem:$0x7FF] =	sst s3;
	s5 =	sadd.s32 $0xA00, s0;
	s7 =	smul.u32 $0x5000, s6  }
0x9: {  	s9 =	sadd.s32 $0x14800, s0;
	_ =	strace $0x80000047;
	s8 =	smul.u32 $0x4F00, s6  }
0xa: {  	s10 =	ssub.s32 $0x2, s6;
	p0 =	seq.s32 s6, $0x0;
	s6 =	simm.s32 $0x23600  }
0xb: {  	s12 =	sshrl.u32 s10, $0x1;
	s24 =	sadd.s32 s9, s11;
	s4 =	sadd.s32 s4, s11  }
0xc: {  	s25 =	sadd.s32 $0x800, s19;
	s26 =	sadd.s32 $0x1000, s19;
	s22 =	sadd.s32 $0x1800, s19  }
0xd: {  	s6 =	simm.s32 @!p0 $0x1E600;
	s8 =	sadd.s32 s9, s8;
	[dreg:$0x6] =	wrdreg s24  }
0xe: {  	s7 =	sadd.s32 s7, s0;
	s20 =	ssub.s32 s10, s12;
	[dreg:$0x7] =	wrdreg s4  }
0xf: {  	s9 =	sadd.s32 s19, s1;
	s10 =	sadd.s32 s19, s2;
	s12 =	sadd.s32 s25, s2  }
0x10: {  	s13 =	sadd.s32 s26, s1;
	s14 =	sadd.s32 s26, s2;
	s15 =	sadd.s32 s22, s1  }
0x11: {  	s16 =	sadd.s32 s22, s2;
	s24 =	sadd.s32 $0x2000, s19;
	s0 =	sadd.s32 s6, s0  }
0x12: {  	s19 =	sshrl.u32 s19, $0x3;
	s4 =	sshrl.u32 s25, $0x3;
	s21 =	sshrl.u32 s26, $0x3  }
0x13: {  	s22 =	sshrl.u32 s22, $0x3;
	s8 =	sadd.s32 s11, s8;
	[dreg:$0x8] =	wrdreg s19  }
0x14: {  	s11 =	sadd.s32 s25, s1;
	s17 =	sadd.s32 s24, s1;
	[dreg:$0x9] =	wrdreg s4  }
0x15: {  	s18 =	sadd.s32 $0xA800, s7;
	s20 =	smax.u32 s20, $0x1;
	[dreg:$0x5] =	wrdreg s8  }
0x16: {  	s23 =	sadd.s32 s24, s2;
	s6 =	sadd.s32 s0, s19;
	[dreg:$0xa] =	wrdreg s20  }
0x17: {  	s24 =	sshrl.u32 s24, $0x3;
	s4 =	sadd.s32 s0, s4;
	[dreg:$0xb] =	wrdreg s6  }
.Ltmp0:
0x18: {  	s25 =	sadd.s32 s0, s21;
	[dreg:$0xc] =	wrdreg s4;
	(pc) =	sbr.rel .LBB2_1-.Ltmp0, $4  }
0x19: {  	s26 =	sadd.s32 s0, s22;
	s7 =	simm.s32 $0xC680;
	[dreg:$0xd] =	wrdreg s25  }
0x1a: {  	[dreg:$0xe] =	wrdreg s26;
	s0 =	sadd.s32 s0, s24;
	s4 =	simm.s32 $0x5  }
0x1b: {  	s8 =	simm.s32 $0x80;
	s6 =	simm.s32 $0xCE80;
	s25 =	simm.s32 $0x4  }
0x1c: {  	v0 =	vimm.f32 $0.0e+00;
	s26 =	simm.s32 $0x3;
	[dreg:$0xf] =	wrdreg s0;
	s0 =	simm.s32 $0x1  }
.LBB2_27:
0x1d: {  	_ =	swait.ge [sflag:s26], $0x800  }
0x1e: {  	[sflag:s26] =	ssyncset.done $0x0  }
0x1f: {  	[sflag:s26] =	ssyncadd.s32 $0xFFFFF800  }
0x20: {  	_ =	swait.ge [sflag:s25], $0x800  }
0x21: {  	[sflag:s25] =	ssyncset.done $0x0  }
0x22: {  	[sflag:s25] =	ssyncadd.s32 $0xFFFFF800  }
0x23: {  	[bflag:$0x0] =	sbarrier.arrive $0xFFFF  }
0x24: {  	[tilespmem:s7], [sflag:$0x5] =	stream.linear.gather [spmem:s10], $0x800, $0x38;
	[tilespmem:$0xDE80] =	vst v63  }
0x25: {  	_ =	swait.ge [sflag:s4], $0x800  }
0x26: {  	[sflag:s4] =	ssyncset.done $0x0  }
0x27: {  	s19 =	rddreg [dreg:$0xb];
	[sflag:s4] =	ssyncadd.s32 $0xFFFFF800  }
0x28: {  	[hbm4b:s19+s3] =	stream.linear.scatter [tilespmem:s7], [sflag:$0x5], $0x800, $0x38;
	[tilespmem:$0xDE80] =	vst v63  }
0x29: {  	_ =	swait.ge [sflag:s4], $0x800  }
0x2a: {  	[sflag:s4] =	ssyncset.done $0x0  }
0x2b: {  	[sflag:s4] =	ssyncadd.s32 $0xFFFFF800  }
0x2c: {  	[tilespmem:s7], [sflag:$0x5] =	stream.linear.gather [spmem:s12], $0x800, $0x38;
	[tilespmem:$0xDE80] =	vst v63  }
0x2d: {  	_ =	swait.ge [sflag:s4], $0x800  }
0x2e: {  	[sflag:s4] =	ssyncset.done $0x0  }
0x2f: {  	s20 =	rddreg [dreg:$0xc];
	[sflag:s4] =	ssyncadd.s32 $0xFFFFF800  }
0x30: {  	[hbm4b:s20+s3] =	stream.linear.scatter [tilespmem:s7], [sflag:$0x5], $0x800, $0x38;
	[tilespmem:$0xDE80] =	vst v63  }
0x31: {  	_ =	swait.ge [sflag:s4], $0x800  }
0x32: {  	[sflag:s4] =	ssyncset.done $0x0  }
0x33: {  	[sflag:s4] =	ssyncadd.s32 $0xFFFFF800  }
0x34: {  	[tilespmem:s7], [sflag:$0x5] =	stream.linear.gather [spmem:s14], $0x800, $0x38;
	[tilespmem:$0xDE80] =	vst v63  }
0x35: {  	_ =	swait.ge [sflag:s4], $0x800  }
0x36: {  	[sflag:s4] =	ssyncset.done $0x0  }
0x37: {  	s20 =	rddreg [dreg:$0xd];
	[sflag:s4] =	ssyncadd.s32 $0xFFFFF800  }
0x38: {  	[hbm4b:s20+s3] =	stream.linear.scatter [tilespmem:s7], [sflag:$0x5], $0x800, $0x38;
	[tilespmem:$0xDE80] =	vst v63  }
0x39: {  	_ =	swait.ge [sflag:s4], $0x800  }
0x3a: {  	[sflag:s4] =	ssyncset.done $0x0  }
0x3b: {  	[sflag:s4] =	ssyncadd.s32 $0xFFFFF800  }
0x3c: {  	[tilespmem:s7], [sflag:$0x5] =	stream.linear.gather [spmem:s16], $0x800, $0x38;
	[tilespmem:$0xDE80] =	vst v63  }
0x3d: {  	_ =	swait.ge [sflag:s4], $0x800  }
0x3e: {  	[sflag:s4] =	ssyncset.done $0x0  }
0x3f: {  	s20 =	rddreg [dreg:$0xe];
	[sflag:s4] =	ssyncadd.s32 $0xFFFFF800  }
0x40: {  	[hbm4b:s20+s3] =	stream.linear.scatter [tilespmem:s7], [sflag:$0x5], $0x800, $0x38;
	[tilespmem:$0xDE80] =	vst v63  }
0x41: {  	_ =	swait.ge [sflag:s4], $0x800  }
0x42: {  	[sflag:s4] =	ssyncset.done $0x0  }
0x43: {  	[sflag:s4] =	ssyncadd.s32 $0xFFFFF800  }
0x44: {  	[tilespmem:s7], [sflag:$0x5] =	stream.linear.gather [spmem:s23], $0x800, $0x38;
	[tilespmem:$0xDE80] =	vst v63  }
0x45: {  	_ =	swait.ge [sflag:s4], $0x800  }
0x46: {  	[sflag:s4] =	ssyncset.done $0x0  }
0x47: {  	s20 =	rddreg [dreg:$0xf];
	[sflag:s4] =	ssyncadd.s32 $0xFFFFF800  }
0x48: {  	[hbm4b:s20+s3] =	stream.linear.scatter [tilespmem:s7], [sflag:$0x5], $0x800, $0x38;
	[tilespmem:$0xDE80] =	vst v63  }
0x49: {  	_ =	swait.ge [sflag:s4], $0x800  }
0x4a: {  	s30 =	sadd.s32 $0x1, s30;
	s20 =	rddreg [dreg:$0xa]  }
0x4b: {  	p0 =	sne.s32 s30, s20  }
.Ltmp1:
0x4c: {  	_ = 	snop;
	(pc) =	sbr.rel @!p0 .LBB2_28-.Ltmp1, $3  }
0x4d: {  	_ =	sdelay $0x1  }
0x4e: {  	[sflag:s4] =	ssyncset.done $0x0  }
0x4f: {  	s31 =	simm.s32 $0x5000;
	[sflag:s4] =	ssyncadd.s32 $0xFFFFF800  }
.LBB2_1:
0x50: {  	s19 =	rddreg [dreg:$0x5]  }
0x51: {  	[tilespmem:s31], [sflag:$0x5] =	stream.linear.gather [hbm4b:s19+s3], $0x2780, $0x38;
	[tilespmem:$0xDE80] =	vst v63  }
0x52: {  	_ =	swait.ge [sflag:s4], $0x2780  }
0x53: {  	[sflag:s4] =	ssyncset.done $0x0  }
0x54: {  	s20 =	simm.s32 $0x7780;
	s19 =	rddreg [dreg:$0x6];
	[sflag:s4] =	ssyncadd.s32 $0xFFFFD880  }
0x55: {  	[tilespmem:s20], [sflag:$0x5] =	stream.linear.gather [hbm4b:s19+s3], $0x2780, $0x38;
	[tilespmem:$0xDE80] =	vst v63  }
0x56: {  	_ =	swait.ge [sflag:s4], $0x2780  }
0x57: {  	[sflag:s4] =	ssyncset.done $0x0  }
0x58: {  	s20 =	simm.s32 $0x9F00;
	s19 =	rddreg [dreg:$0x7];
	[sflag:s4] =	ssyncadd.s32 $0xFFFFD880  }
0x59: {  	[tilespmem:s20], [sflag:$0x5] =	stream.linear.gather [hbm4b:s19+s3], $0x2780, $0x38;
	[tilespmem:$0xDE80] =	vst v63  }
0x5a: {  	_ =	swait.ge [sflag:s4], $0x2780  }
0x5b: {  	[sflag:s4] =	ssyncset.done $0x0  }
0x5c: {  	s19 =	simm.s32 $0x40;
	s20 =	simm.s32 $0x0;
	[sflag:s4] =	ssyncadd.s32 $0xFFFFD880  }
.LBB2_2:
0x5d: {  	p0 =	sne.s32 s19, $0x1FC0;
	[tilespmem:s20+$0xC680] =	vst v0;
	s20 =	smov.u32 s19;
	s19 =	sadd.s32 $0x40, s19  }
.Ltmp2:
0x5e: {  	(pc) =	sbr.rel @p0 .LBB2_2-.Ltmp2, $2  }
0x5f: {  	_ =	sdelay $0x2  }
0x60: {  	s20 =	sshra.s32 s20, $0x2  }
0x61: {  	[tilespmem:s20+$0xC680] =	vst v0  }
0x62: {  	[spmem:s9] =	stream.linear.scatter [tilespmem:s7], [sflag:$0x5], $0x800, $0x38;
	[tilespmem:$0xDE80] =	vst v63  }
0x63: {  	_ =	swait.ge [sflag:s4], $0x800  }
0x64: {  	[sflag:s4] =	ssyncset.done $0x0  }
0x65: {  	[sflag:s4] =	ssyncadd.s32 $0xFFFFF800  }
0x66: {  	[spmem:s10] =	stream.linear.scatter [tilespmem:s7], [sflag:$0x5], $0x800, $0x38;
	[tilespmem:$0xDE80] =	vst v63  }
0x67: {  	_ =	swait.ge [sflag:s4], $0x800  }
0x68: {  	[sflag:s4] =	ssyncset.done $0x0  }
0x69: {  	[sflag:s4] =	ssyncadd.s32 $0xFFFFF800  }
0x6a: {  	[spmem:s11] =	stream.linear.scatter [tilespmem:s7], [sflag:$0x5], $0x800, $0x38;
	[tilespmem:$0xDE80] =	vst v63  }
0x6b: {  	_ =	swait.ge [sflag:s4], $0x800  }
0x6c: {  	[sflag:s4] =	ssyncset.done $0x0  }
0x6d: {  	[sflag:s4] =	ssyncadd.s32 $0xFFFFF800  }
0x6e: {  	[spmem:s12] =	stream.linear.scatter [tilespmem:s7], [sflag:$0x5], $0x800, $0x38;
	[tilespmem:$0xDE80] =	vst v63  }
0x6f: {  	_ =	swait.ge [sflag:s4], $0x800  }
0x70: {  	[sflag:s4] =	ssyncset.done $0x0  }
0x71: {  	[sflag:s4] =	ssyncadd.s32 $0xFFFFF800  }
0x72: {  	[spmem:s13] =	stream.linear.scatter [tilespmem:s7], [sflag:$0x5], $0x800, $0x38;
	[tilespmem:$0xDE80] =	vst v63  }
0x73: {  	_ =	swait.ge [sflag:s4], $0x800  }
0x74: {  	[sflag:s4] =	ssyncset.done $0x0  }
0x75: {  	[sflag:s4] =	ssyncadd.s32 $0xFFFFF800  }
0x76: {  	[spmem:s14] =	stream.linear.scatter [tilespmem:s7], [sflag:$0x5], $0x800, $0x38;
	[tilespmem:$0xDE80] =	vst v63  }
0x77: {  	_ =	swait.ge [sflag:s4], $0x800  }
0x78: {  	[sflag:s4] =	ssyncset.done $0x0  }
0x79: {  	[sflag:s4] =	ssyncadd.s32 $0xFFFFF800  }
0x7a: {  	[spmem:s15] =	stream.linear.scatter [tilespmem:s7], [sflag:$0x5], $0x800, $0x38;
	[tilespmem:$0xDE80] =	vst v63  }
0x7b: {  	_ =	swait.ge [sflag:s4], $0x800  }
0x7c: {  	[sflag:s4] =	ssyncset.done $0x0  }
0x7d: {  	[sflag:s4] =	ssyncadd.s32 $0xFFFFF800  }
0x7e: {  	[spmem:s16] =	stream.linear.scatter [tilespmem:s7], [sflag:$0x5], $0x800, $0x38;
	[tilespmem:$0xDE80] =	vst v63  }
0x7f: {  	_ =	swait.ge [sflag:s4], $0x800  }
0x80: {  	[sflag:s4] =	ssyncset.done $0x0  }
0x81: {  	[sflag:s4] =	ssyncadd.s32 $0xFFFFF800  }
0x82: {  	[spmem:s17] =	stream.linear.scatter [tilespmem:s7], [sflag:$0x5], $0x800, $0x38;
	[tilespmem:$0xDE80] =	vst v63  }
0x83: {  	_ =	swait.ge [sflag:s4], $0x800  }
0x84: {  	[sflag:s4] =	ssyncset.done $0x0  }
0x85: {  	[sflag:s4] =	ssyncadd.s32 $0xFFFFF800  }
0x86: {  	[spmem:s23] =	stream.linear.scatter [tilespmem:s7], [sflag:$0x5], $0x800, $0x38;
	[tilespmem:$0xDE80] =	vst v63  }
0x87: {  	_ =	swait.ge [sflag:s4], $0x800  }
.Ltmp3:
0x88: {  	[sflag:s4] =	ssyncset.done $0x0;
	(pc) =	sbr.rel .LBB2_4-.Ltmp3, $4  }
0x89: {  	[sflag:s4] =	ssyncadd.s32 $0xFFFFF800  }
0x8a: {  	[bflag:$0x0] =	sbarrier.arrive $0xFFFF  }
0x8b: {  	[tilespmem:s7], [sflag:$0x1] =	stream.indirect.gather [hbm4b:s5+s8], $0x10, s31, s8, $0xb8;
	[tilespmem:$0xDE80] =	vst v63  }
0x8c: {  	s31 =	simm.s32 $0x0  }
.LBB2_29:
0x8d: {  	_ =	swait.ge [sflag:s29], $0x800  }
0x8e: {  	[sflag:s29] =	ssyncset.done $0x0  }
0x8f: {  	s31 =	sadd.s32 $0x1, s31;
	[sflag:s29] =	ssyncadd.s32 $0xFFFFF800  }
0x90: {  	[spmem:s1] =	stream.indirect.scatter.add.f32 [tilespmem:s6], [sflag:$0x4], $0x10, s19, s8, $0xb8;
	[tilespmem:$0xDE80] =	vst v63  }
0x91: {  	s20 =	sshll.u32 s31, $0x7;
	_ =	swait.ge [sflag:s26], $0x800  }
0x92: {  	s19 =	sand.u32 $0x3FFFFF80, s20;
	[sflag:s26] =	ssyncset.done $0x0  }
0x93: {  	s19 =	sadd.s32 $0x5000, s19;
	[sflag:s26] =	ssyncadd.s32 $0xFFFFF800  }
0x94: {  	[tilespmem:s7], [sflag:$0x1] =	stream.indirect.gather [hbm4b:s5+s8], $0x10, s19, s8, $0xb8;
	[tilespmem:$0xDE80] =	vst v63  }
.LBB2_9:
0x95: {  	p0 =	slt.u32 s31, $0x4F  }
.Ltmp4:
0x96: {  	_ = 	snop;
	(pc) =	sbr.rel @!p0 .LBB2_10-.Ltmp4, $1  }
0x97: {  	_ =	sdelay $0x3  }
.LBB2_4:
0x98: {  	s19 =	sand.u32 $0x1, s31  }
0x99: {  	p0 =	seq.s32 s19, $0x1  }
.Ltmp5:
0x9a: {  	_ = 	snop;
	(pc) =	sbr.rel @p0 .LBB2_29-.Ltmp5, $4  }
0x9b: {  	_ = 	snop  }
0x9c: {  	s20 =	sshll.u32 s31, $0x7  }
0x9d: {  	s20 =	sand.u32 $0x3FFFFF80, s20  }
0x9e: {  	s19 =	sadd.s32 $0x9F00, s20  }
0x9f: {  	p0 =	seq.s32 s31, $0x0  }
.Ltmp6:
0xa0: {  	_ = 	snop;
	(pc) =	sbr.rel @p0 .LBB2_8-.Ltmp6, $4  }
0xa1: {  	_ =	swait.ge [sflag:s0], $0x800  }
0xa2: {  	[sflag:s0] =	ssyncset.done $0x0  }
0xa3: {  	[sflag:s0] =	ssyncadd.s32 $0xFFFFF800  }
0xa4: {  	[spmem:s1] =	stream.indirect.scatter.add.f32 [tilespmem:s7], [sflag:$0x3], $0x10, s19, s8, $0xb8;
	[tilespmem:$0xDE80] =	vst v63  }
0xa5: {  	p0 =	seq.s32 s31, $0x4E  }
.Ltmp7:
0xa6: {  	_ = 	snop;
	(pc) =	sbr.rel @p0 .LBB2_10-.Ltmp7, $1  }
0xa7: {  	_ =	sdelay $0x3  }
0xa8: {  	_ =	swait.ge [sflag:s25], $0x800  }
0xa9: {  	[sflag:s25] =	ssyncset.done $0x0  }
0xaa: {  	[sflag:s25] =	ssyncadd.s32 $0xFFFFF800  }
.LBB2_8:
.Ltmp8:
0xab: {  	s31 =	sor.u32 $0x1, s31;
	(pc) =	sbr.rel .LBB2_9-.Ltmp8, $4  }
0xac: {  	s19 =	sshll.u32 s31, $0x7  }
0xad: {  	s19 =	sand.u32 $0x3FFFFF80, s19  }
0xae: {  	s19 =	sadd.s32 $0x5000, s19  }
0xaf: {  	[tilespmem:s6], [sflag:$0x2] =	stream.indirect.gather [hbm4b:s5+s8], $0x10, s19, s8, $0xb8;
	[tilespmem:$0xDE80] =	vst v63  }
.LBB2_10:
0xb0: {  	_ =	swait.ge [sflag:s26], $0x800  }
0xb1: {  	[sflag:s26] =	ssyncset.done $0x0  }
0xb2: {  	[sflag:s26] =	ssyncadd.s32 $0xFFFFF800  }
0xb3: {  	_ =	swait.ge [sflag:s25], $0x800  }
0xb4: {  	[sflag:s25] =	ssyncset.done $0x0  }
0xb5: {  	[sflag:s25] =	ssyncadd.s32 $0xFFFFF800  }
0xb6: {  	[bflag:$0x0] =	sbarrier.arrive $0xFFFF  }
0xb7: {  	[tilespmem:s7], [sflag:$0x5] =	stream.linear.gather [spmem:s9], $0x800, $0x38;
	[tilespmem:$0xDE80] =	vst v63  }
0xb8: {  	_ =	swait.ge [sflag:s4], $0x800  }
0xb9: {  	[sflag:s4] =	ssyncset.done $0x0;
	s19 =	rddreg [dreg:$0x8]  }
0xba: {  	s20 =	simm.s32 $0x0;
	[sflag:s4] =	ssyncadd.s32 $0xFFFFF800;
	s19 =	sadd.s32 s19, s18  }
0xbb: {  	[tilespmem:s28], [sflag:$0x5] =	stream.linear.gather [hbm4b:s19+s20], $0x800, $0x38;
	[tilespmem:$0xDE80] =	vst v63  }
0xbc: {  	_ =	swait.ge [sflag:s4], $0x800  }
0xbd: {  	[sflag:s4] =	ssyncset.done $0x0  }
0xbe: {  	s31 =	simm.s32 $0x0;
	[sflag:s4] =	ssyncadd.s32 $0xFFFFF800  }
0xbf: {  	v1 =	vld [tilespmem:s31+$0xD680]  }
0xc0: {  	v2 =	vld [tilespmem:s31+$0xC680];
	_ =	sdelay $0x3  }
0xc1: {  	v1 =	vmul.f32 $1.000000010e-01, v1  }
0xc2: {  	v2 =	vmax.f32 v2, $0.0e+00  }
0xc3: {  	v1 =	vadd.f32 v1, v2  }
0xc4: {  	s20 =	simm.s32 $0x10;
	s19 =	simm.s32 $0x80  }
.LBB2_11:
0xc5: {  	p0 =	sne.s32 s19, $0x1FC0;
	v2 =	vld [tilespmem:s20+$0xD680];
	[tilespmem:s31+$0xC680] =	vst v1;
	s31 =	smov.u32 s20  }
0xc6: {  	v1 =	vld [tilespmem:s31+$0xC680];
	_ =	sdelay $0x2  }
.Ltmp9:
0xc7: {  	(pc) =	sbr.rel @p0 .LBB2_11-.Ltmp9, $4  }
0xc8: {  	v2 =	vmul.f32 $1.000000010e-01, v2  }
0xc9: {  	v1 =	vmax.f32 v1, $0.0e+00  }
0xca: {  	v1 =	vadd.f32 v2, v1  }
0xcb: {  	s20 =	sshra.s32 s19, $0x2;
	s19 =	sadd.s32 $0x40, s19  }
0xcc: {  	v2 =	vld [tilespmem:s20+$0xD680];
	[tilespmem:s31+$0xC680] =	vst v1  }
0xcd: {  	v1 =	vld [tilespmem:s20+$0xC680];
	_ =	sdelay $0x3  }
0xce: {  	v2 =	vmul.f32 $1.000000010e-01, v2  }
0xcf: {  	v1 =	vmax.f32 v1, $0.0e+00  }
0xd0: {  	v1 =	vadd.f32 v2, v1;
	_ =	sdelay $0x1  }
0xd1: {  	[tilespmem:s20+$0xC680] =	vst v1  }
0xd2: {  	[spmem:s9] =	stream.linear.scatter [tilespmem:s7], [sflag:$0x5], $0x800, $0x38;
	[tilespmem:$0xDE80] =	vst v63  }
0xd3: {  	_ =	swait.ge [sflag:s4], $0x800  }
0xd4: {  	[sflag:s4] =	ssyncset.done $0x0  }
0xd5: {  	[sflag:s4] =	ssyncadd.s32 $0xFFFFF800  }
0xd6: {  	[tilespmem:s7], [sflag:$0x5] =	stream.linear.gather [spmem:s11], $0x800, $0x38;
	[tilespmem:$0xDE80] =	vst v63  }
0xd7: {  	_ =	swait.ge [sflag:s4], $0x800  }
0xd8: {  	[sflag:s4] =	ssyncset.done $0x0;
	s19 =	rddreg [dreg:$0x9]  }
0xd9: {  	s20 =	simm.s32 $0x0;
	[sflag:s4] =	ssyncadd.s32 $0xFFFFF800;
	s19 =	sadd.s32 s19, s18  }
0xda: {  	[tilespmem:s28], [sflag:$0x5] =	stream.linear.gather [hbm4b:s19+s20], $0x800, $0x38;
	[tilespmem:$0xDE80] =	vst v63  }
0xdb: {  	_ =	swait.ge [sflag:s4], $0x800  }
0xdc: {  	[sflag:s4] =	ssyncset.done $0x0  }
0xdd: {  	s31 =	simm.s32 $0x0;
	[sflag:s4] =	ssyncadd.s32 $0xFFFFF800  }
0xde: {  	v1 =	vld [tilespmem:s31+$0xD680]  }
0xdf: {  	v2 =	vld [tilespmem:s31+$0xC680];
	_ =	sdelay $0x3  }
0xe0: {  	v1 =	vmul.f32 $1.000000010e-01, v1  }
0xe1: {  	v2 =	vmax.f32 v2, $0.0e+00  }
0xe2: {  	v1 =	vadd.f32 v1, v2  }
0xe3: {  	s20 =	simm.s32 $0x10;
	s19 =	simm.s32 $0x80  }
.LBB2_13:
0xe4: {  	p0 =	sne.s32 s19, $0x1FC0;
	v2 =	vld [tilespmem:s20+$0xD680];
	[tilespmem:s31+$0xC680] =	vst v1;
	s31 =	smov.u32 s20  }
0xe5: {  	v1 =	vld [tilespmem:s31+$0xC680];
	_ =	sdelay $0x2  }
.Ltmp10:
0xe6: {  	(pc) =	sbr.rel @p0 .LBB2_13-.Ltmp10, $4  }
0xe7: {  	v2 =	vmul.f32 $1.000000010e-01, v2  }
0xe8: {  	v1 =	vmax.f32 v1, $0.0e+00  }
0xe9: {  	v1 =	vadd.f32 v2, v1  }
0xea: {  	s20 =	sshra.s32 s19, $0x2;
	s19 =	sadd.s32 $0x40, s19  }
0xeb: {  	v2 =	vld [tilespmem:s20+$0xD680];
	[tilespmem:s31+$0xC680] =	vst v1  }
0xec: {  	v1 =	vld [tilespmem:s20+$0xC680];
	_ =	sdelay $0x3  }
0xed: {  	v2 =	vmul.f32 $1.000000010e-01, v2  }
0xee: {  	v1 =	vmax.f32 v1, $0.0e+00  }
0xef: {  	v1 =	vadd.f32 v2, v1;
	_ =	sdelay $0x1  }
0xf0: {  	[tilespmem:s20+$0xC680] =	vst v1  }
0xf1: {  	[spmem:s11] =	stream.linear.scatter [tilespmem:s7], [sflag:$0x5], $0x800, $0x38;
	[tilespmem:$0xDE80] =	vst v63  }
0xf2: {  	_ =	swait.ge [sflag:s4], $0x800  }
0xf3: {  	[sflag:s4] =	ssyncset.done $0x0  }
0xf4: {  	[sflag:s4] =	ssyncadd.s32 $0xFFFFF800  }
0xf5: {  	[tilespmem:s7], [sflag:$0x5] =	stream.linear.gather [spmem:s13], $0x800, $0x38;
	[tilespmem:$0xDE80] =	vst v63  }
0xf6: {  	_ =	swait.ge [sflag:s4], $0x800  }
0xf7: {  	[sflag:s4] =	ssyncset.done $0x0  }
0xf8: {  	s19 =	sadd.s32 s21, s18;
	s20 =	simm.s32 $0x0;
	[sflag:s4] =	ssyncadd.s32 $0xFFFFF800  }
0xf9: {  	[tilespmem:s28], [sflag:$0x5] =	stream.linear.gather [hbm4b:s19+s20], $0x800, $0x38;
	[tilespmem:$0xDE80] =	vst v63  }
0xfa: {  	_ =	swait.ge [sflag:s4], $0x800  }
0xfb: {  	[sflag:s4] =	ssyncset.done $0x0  }
0xfc: {  	s31 =	simm.s32 $0x0;
	[sflag:s4] =	ssyncadd.s32 $0xFFFFF800  }
0xfd: {  	v1 =	vld [tilespmem:s31+$0xD680]  }
0xfe: {  	v2 =	vld [tilespmem:s31+$0xC680];
	_ =	sdelay $0x3  }
0xff: {  	v1 =	vmul.f32 $1.000000010e-01, v1  }
0x100: {  	v2 =	vmax.f32 v2, $0.0e+00  }
0x101: {  	v1 =	vadd.f32 v1, v2  }
0x102: {  	s20 =	simm.s32 $0x10;
	s19 =	simm.s32 $0x80  }
.LBB2_15:
0x103: {  	p0 =	sne.s32 s19, $0x1FC0;
	v2 =	vld [tilespmem:s20+$0xD680];
	[tilespmem:s31+$0xC680] =	vst v1;
	s31 =	smov.u32 s20  }
0x104: {  	v1 =	vld [tilespmem:s31+$0xC680];
	_ =	sdelay $0x2  }
.Ltmp11:
0x105: {  	(pc) =	sbr.rel @p0 .LBB2_15-.Ltmp11, $4  }
0x106: {  	v2 =	vmul.f32 $1.000000010e-01, v2  }
0x107: {  	v1 =	vmax.f32 v1, $0.0e+00  }
0x108: {  	v1 =	vadd.f32 v2, v1  }
0x109: {  	s20 =	sshra.s32 s19, $0x2;
	s19 =	sadd.s32 $0x40, s19  }
0x10a: {  	v2 =	vld [tilespmem:s20+$0xD680];
	[tilespmem:s31+$0xC680] =	vst v1  }
0x10b: {  	v1 =	vld [tilespmem:s20+$0xC680];
	_ =	sdelay $0x3  }
0x10c: {  	v2 =	vmul.f32 $1.000000010e-01, v2  }
0x10d: {  	v1 =	vmax.f32 v1, $0.0e+00  }
0x10e: {  	v1 =	vadd.f32 v2, v1;
	_ =	sdelay $0x1  }
0x10f: {  	[tilespmem:s20+$0xC680] =	vst v1  }
0x110: {  	[spmem:s13] =	stream.linear.scatter [tilespmem:s7], [sflag:$0x5], $0x800, $0x38;
	[tilespmem:$0xDE80] =	vst v63  }
0x111: {  	_ =	swait.ge [sflag:s4], $0x800  }
0x112: {  	[sflag:s4] =	ssyncset.done $0x0  }
0x113: {  	[sflag:s4] =	ssyncadd.s32 $0xFFFFF800  }
0x114: {  	[tilespmem:s7], [sflag:$0x5] =	stream.linear.gather [spmem:s15], $0x800, $0x38;
	[tilespmem:$0xDE80] =	vst v63  }
0x115: {  	_ =	swait.ge [sflag:s4], $0x800  }
0x116: {  	[sflag:s4] =	ssyncset.done $0x0  }
0x117: {  	s19 =	sadd.s32 s22, s18;
	s20 =	simm.s32 $0x0;
	[sflag:s4] =	ssyncadd.s32 $0xFFFFF800  }
0x118: {  	[tilespmem:s28], [sflag:$0x5] =	stream.linear.gather [hbm4b:s19+s20], $0x800, $0x38;
	[tilespmem:$0xDE80] =	vst v63  }
0x119: {  	_ =	swait.ge [sflag:s4], $0x800  }
0x11a: {  	[sflag:s4] =	ssyncset.done $0x0  }
0x11b: {  	s31 =	simm.s32 $0x0;
	[sflag:s4] =	ssyncadd.s32 $0xFFFFF800  }
0x11c: {  	v1 =	vld [tilespmem:s31+$0xD680]  }
0x11d: {  	v2 =	vld [tilespmem:s31+$0xC680];
	_ =	sdelay $0x3  }
0x11e: {  	v1 =	vmul.f32 $1.000000010e-01, v1  }
0x11f: {  	v2 =	vmax.f32 v2, $0.0e+00  }
0x120: {  	v1 =	vadd.f32 v1, v2  }
0x121: {  	s20 =	simm.s32 $0x10;
	s19 =	simm.s32 $0x80  }
.LBB2_17:
0x122: {  	p0 =	sne.s32 s19, $0x1FC0;
	v2 =	vld [tilespmem:s20+$0xD680];
	[tilespmem:s31+$0xC680] =	vst v1;
	s31 =	smov.u32 s20  }
0x123: {  	v1 =	vld [tilespmem:s31+$0xC680];
	_ =	sdelay $0x2  }
.Ltmp12:
0x124: {  	(pc) =	sbr.rel @p0 .LBB2_17-.Ltmp12, $4  }
0x125: {  	v2 =	vmul.f32 $1.000000010e-01, v2  }
0x126: {  	v1 =	vmax.f32 v1, $0.0e+00  }
0x127: {  	v1 =	vadd.f32 v2, v1  }
0x128: {  	s20 =	sshra.s32 s19, $0x2;
	s19 =	sadd.s32 $0x40, s19  }
0x129: {  	v2 =	vld [tilespmem:s20+$0xD680];
	[tilespmem:s31+$0xC680] =	vst v1  }
0x12a: {  	v1 =	vld [tilespmem:s20+$0xC680];
	_ =	sdelay $0x3  }
0x12b: {  	v2 =	vmul.f32 $1.000000010e-01, v2  }
0x12c: {  	v1 =	vmax.f32 v1, $0.0e+00  }
0x12d: {  	v1 =	vadd.f32 v2, v1;
	_ =	sdelay $0x1  }
0x12e: {  	[tilespmem:s20+$0xC680] =	vst v1  }
0x12f: {  	[spmem:s15] =	stream.linear.scatter [tilespmem:s7], [sflag:$0x5], $0x800, $0x38;
	[tilespmem:$0xDE80] =	vst v63  }
0x130: {  	_ =	swait.ge [sflag:s4], $0x800  }
0x131: {  	[sflag:s4] =	ssyncset.done $0x0  }
0x132: {  	[sflag:s4] =	ssyncadd.s32 $0xFFFFF800  }
0x133: {  	[tilespmem:s7], [sflag:$0x5] =	stream.linear.gather [spmem:s17], $0x800, $0x38;
	[tilespmem:$0xDE80] =	vst v63  }
0x134: {  	_ =	swait.ge [sflag:s4], $0x800  }
0x135: {  	[sflag:s4] =	ssyncset.done $0x0  }
0x136: {  	s19 =	sadd.s32 s24, s18;
	s20 =	simm.s32 $0x0;
	[sflag:s4] =	ssyncadd.s32 $0xFFFFF800  }
0x137: {  	[tilespmem:s28], [sflag:$0x5] =	stream.linear.gather [hbm4b:s19+s20], $0x800, $0x38;
	[tilespmem:$0xDE80] =	vst v63  }
0x138: {  	_ =	swait.ge [sflag:s4], $0x800  }
0x139: {  	[sflag:s4] =	ssyncset.done $0x0  }
0x13a: {  	s31 =	simm.s32 $0x0;
	[sflag:s4] =	ssyncadd.s32 $0xFFFFF800  }
0x13b: {  	v1 =	vld [tilespmem:s31+$0xD680]  }
0x13c: {  	v2 =	vld [tilespmem:s31+$0xC680];
	_ =	sdelay $0x3  }
0x13d: {  	v1 =	vmul.f32 $1.000000010e-01, v1  }
0x13e: {  	v2 =	vmax.f32 v2, $0.0e+00  }
0x13f: {  	v1 =	vadd.f32 v1, v2  }
0x140: {  	s20 =	simm.s32 $0x10;
	s19 =	simm.s32 $0x80  }
.LBB2_19:
0x141: {  	p0 =	sne.s32 s19, $0x1FC0;
	v2 =	vld [tilespmem:s20+$0xD680];
	[tilespmem:s31+$0xC680] =	vst v1;
	s31 =	smov.u32 s20  }
0x142: {  	v1 =	vld [tilespmem:s31+$0xC680];
	_ =	sdelay $0x2  }
.Ltmp13:
0x143: {  	(pc) =	sbr.rel @p0 .LBB2_19-.Ltmp13, $4  }
0x144: {  	v2 =	vmul.f32 $1.000000010e-01, v2  }
0x145: {  	v1 =	vmax.f32 v1, $0.0e+00  }
0x146: {  	v1 =	vadd.f32 v2, v1  }
0x147: {  	s20 =	sshra.s32 s19, $0x2;
	s19 =	sadd.s32 $0x40, s19  }
0x148: {  	v2 =	vld [tilespmem:s20+$0xD680];
	[tilespmem:s31+$0xC680] =	vst v1  }
0x149: {  	v1 =	vld [tilespmem:s20+$0xC680];
	_ =	sdelay $0x3  }
0x14a: {  	v2 =	vmul.f32 $1.000000010e-01, v2  }
0x14b: {  	v1 =	vmax.f32 v1, $0.0e+00  }
0x14c: {  	v1 =	vadd.f32 v2, v1;
	_ =	sdelay $0x1  }
0x14d: {  	[tilespmem:s20+$0xC680] =	vst v1  }
0x14e: {  	[spmem:s17] =	stream.linear.scatter [tilespmem:s7], [sflag:$0x5], $0x800, $0x38;
	[tilespmem:$0xDE80] =	vst v63  }
.Ltmp14:
0x14f: {  	_ =	swait.ge [sflag:s4], $0x800;
	(pc) =	sbr.rel .LBB2_21-.Ltmp14, $4  }
0x150: {  	[sflag:s4] =	ssyncset.done $0x0  }
0x151: {  	[sflag:s4] =	ssyncadd.s32 $0xFFFFF800  }
0x152: {  	s19 =	simm.s32 $0x7780;
	s31 =	simm.s32 $0x0;
	[bflag:$0x0] =	sbarrier.arrive $0xFFFF  }
0x153: {  	[tilespmem:s7], [sflag:$0x1] =	stream.indirect.gather [spmem:s1], $0x10, s19, s8, $0xb8;
	[tilespmem:$0xDE80] =	vst v63  }
.LBB2_30:
0x154: {  	_ =	swait.ge [sflag:s29], $0x800  }
0x155: {  	[sflag:s29] =	ssyncset.done $0x0  }
0x156: {  	s31 =	sadd.s32 $0x1, s31;
	[sflag:s29] =	ssyncadd.s32 $0xFFFFF800  }
0x157: {  	[spmem:s2] =	stream.indirect.scatter.add.f32 [tilespmem:s6], [sflag:$0x4], $0x10, s19, s8, $0xb8;
	[tilespmem:$0xDE80] =	vst v63  }
0x158: {  	s20 =	sshll.u32 s31, $0x7;
	_ =	swait.ge [sflag:s26], $0x800  }
0x159: {  	s19 =	sand.u32 $0x3FFFFF80, s20;
	[sflag:s26] =	ssyncset.done $0x0  }
0x15a: {  	s19 =	sadd.s32 $0x7780, s19;
	[sflag:s26] =	ssyncadd.s32 $0xFFFFF800  }
0x15b: {  	[tilespmem:s7], [sflag:$0x1] =	stream.indirect.gather [spmem:s1], $0x10, s19, s8, $0xb8;
	[tilespmem:$0xDE80] =	vst v63  }
.LBB2_26:
0x15c: {  	p0 =	slt.u32 s31, $0x4F  }
.Ltmp15:
0x15d: {  	_ = 	snop;
	(pc) =	sbr.rel @!p0 .LBB2_27-.Ltmp15, $1  }
0x15e: {  	_ =	sdelay $0x3  }
.LBB2_21:
0x15f: {  	s19 =	sand.u32 $0x1, s31  }
0x160: {  	p0 =	seq.s32 s19, $0x1  }
.Ltmp16:
0x161: {  	_ = 	snop;
	(pc) =	sbr.rel @p0 .LBB2_30-.Ltmp16, $4  }
0x162: {  	_ = 	snop  }
0x163: {  	s20 =	sshll.u32 s31, $0x7  }
0x164: {  	s20 =	sand.u32 $0x3FFFFF80, s20  }
0x165: {  	s19 =	sadd.s32 $0x9F00, s20  }
0x166: {  	p0 =	seq.s32 s31, $0x0  }
.Ltmp17:
0x167: {  	_ = 	snop;
	(pc) =	sbr.rel @p0 .LBB2_25-.Ltmp17, $4  }
0x168: {  	_ =	swait.ge [sflag:s0], $0x800  }
0x169: {  	[sflag:s0] =	ssyncset.done $0x0  }
0x16a: {  	[sflag:s0] =	ssyncadd.s32 $0xFFFFF800  }
0x16b: {  	[spmem:s2] =	stream.indirect.scatter.add.f32 [tilespmem:s7], [sflag:$0x3], $0x10, s19, s8, $0xb8;
	[tilespmem:$0xDE80] =	vst v63  }
0x16c: {  	p0 =	seq.s32 s31, $0x4E  }
.Ltmp18:
0x16d: {  	_ = 	snop;
	(pc) =	sbr.rel @p0 .LBB2_27-.Ltmp18, $1  }
0x16e: {  	_ =	sdelay $0x3  }
0x16f: {  	_ =	swait.ge [sflag:s25], $0x800  }
0x170: {  	[sflag:s25] =	ssyncset.done $0x0  }
0x171: {  	[sflag:s25] =	ssyncadd.s32 $0xFFFFF800  }
.LBB2_25:
.Ltmp19:
0x172: {  	s31 =	sor.u32 $0x1, s31;
	(pc) =	sbr.rel .LBB2_26-.Ltmp19, $4  }
0x173: {  	s19 =	sshll.u32 s31, $0x7  }
0x174: {  	s19 =	sand.u32 $0x3FFFFF80, s19  }
0x175: {  	s19 =	sadd.s32 $0x7780, s19  }
0x176: {  	[tilespmem:s6], [sflag:$0x2] =	stream.indirect.gather [spmem:s1], $0x10, s19, s8, $0xb8;
	[tilespmem:$0xDE80] =	vst v63  }
.LBB2_28:
0x177: {  	_ =	sfence.sel $0x180000  }
0x178: {  	[bflag:$0x0] =	sbarrier.arrive $0xFFFF  }
0x179: {  	_ =	strace $0x90000047  }
0x17a: {  	s0 =	stileid.u32;
	[bflag:$0x2] =	sbarrier.arrive $0xFFFF  }
0x17b: {  	p0 =	sne.s32 s0, $0x0;
	s0 =	rddreg [dreg:$0x4]  }
0x17c: {  	s0 =	sadd.s32 @!p0 $0x100000, s0  }
0x17d: {  	[sflag:s0] =	ssyncadd.tile.s32 @!p0 $0x1;
	_ =	shalt  }
.Lfunc_end2:
_tile_overlayer_lowered:
.L_overlay_start_2:
0x17e: {  	(tag) =	ssettag $0x2  }
0x17f: {  	s0 =	rddreg [dreg:$0x0];
	s2 =	stileid.u32  }
0x180: {  	s1 =	rddreg [dreg:$0x1];
	p0 =	sne.s32 s2, $0x0  }
0x181: {  	s3 =	rddreg [dreg:$0x2];
	[bflag:$0x3] =	sbarrier.arrive $0xFFFF;
	s2 =	simm.s32 @!p0 $0x1C05  }
0x182: {  	[timem:s3], [sflag:s2] =	dma.local @!p0 [hbm:s0], s1  }
0x183: {  	s0 =	simm.s32 @!p0 $0x5  }
0x184: {  	_ =	swait.ge @!p0 [sflag:s0], s1  }
0x185: {  	s1 =	ssub.s32 @!p0 $0x0, s1;
	[sflag:s0] =	ssyncset.done @!p0 $0x0  }
0x186: {  	[sflag:s0] =	ssyncadd.s32 @!p0 s1  }
0x187: {  	[bflag:$0x3] =	sbarrier.arrive $0xFFFF  }
0x188: {  	_ =	shalt  }

</sc_bundles>
